<compile_context>
chip_gen: v7x
topology: tpu7x:2x2x1
jax: 0.10.2.dev20260603
libtpu: 0.0.44.dev20260713+nightly
codegen_flags: <defaults>
</compile_context>

<pallas_src>
import functools

import jax
import jax.numpy as jnp
import numpy as np
from jax.experimental import pallas as pl
from jax.experimental.pallas import tpu as pltpu
from jax.experimental.pallas import tpu_sc as plsc

_F32 = jnp.float32
_KC = 48
_NR = 3191


def _main_body(p_ref, w2_ref, b1_ref, gw_ref, w2c_ref, b2_ref, mt_ref,
               pooled_ref, scores_ref, acc_ref):
    b = pl.program_id(0)

    @pl.when(b == 0)
    def _():
        acc_ref[...] = jnp.zeros_like(acc_ref)

    pb = p_ref[0].astype(jnp.bfloat16)
    x1 = jax.lax.dot_general(
        pb[0:_NR], w2_ref[0], (((1,), (0,)), ((), ())),
        preferred_element_type=_F32)
    x1 += jax.lax.dot_general(
        pb[1:_NR + 1], w2_ref[1], (((1,), (0,)), ((), ())),
        preferred_element_type=_F32)
    x1 += jax.lax.dot_general(
        pb[57:_NR + 57], w2_ref[2], (((1,), (0,)), ((), ())),
        preferred_element_type=_F32)
    x1 += jax.lax.dot_general(
        pb[58:_NR + 58], w2_ref[3], (((1,), (0,)), ((), ())),
        preferred_element_type=_F32)
    x1 = jnp.maximum(x1 + b1_ref[...], 0.0)

    valid = (jax.lax.broadcasted_iota(jnp.int32, (_NR, 1), 0) % 57) < 56
    acc_ref[...] += jnp.sum(jnp.where(valid, x1, 0.0), axis=0, keepdims=True)

    x1b = x1.astype(jnp.bfloat16)
    z = jax.lax.dot_general(
        x1b, w2c_ref[...], (((1,), (1,)), ((), ())),
        preferred_element_type=_F32)
    z = jnp.maximum(z + b2_ref[...], 0.0)
    pooled = jax.lax.dot_general(
        z.astype(jnp.bfloat16), mt_ref[...], (((0,), (0,)), ((), ())),
        preferred_element_type=_F32)
    pooled_ref[0] = (pooled * (1.0 / 49.0)).reshape(256, 1, 64)

    @pl.when(b == pl.num_programs(0) - 1)
    def _():
        sig = (acc_ref[...] * (1.0 / 100352.0)).astype(jnp.bfloat16)
        scores_ref[...] = jax.lax.dot_general(
            sig, gw_ref[...].astype(jnp.bfloat16), (((1,), (1,)), ((), ())),
            preferred_element_type=_F32)


def _run_main(p2, w2, b1, gate_w, w2c, b2, mt):
    nb = p2.shape[0]
    return pl.pallas_call(
        _main_body,
        grid=(nb,),
        in_specs=[
            pl.BlockSpec((1, 3249, 48), lambda b: (b, 0, 0)),
            pl.BlockSpec(w2.shape, lambda b: (0, 0, 0)),
            pl.BlockSpec(b1.shape, lambda b: (0, 0)),
            pl.BlockSpec(gate_w.shape, lambda b: (0, 0)),
            pl.BlockSpec(w2c.shape, lambda b: (0, 0)),
            pl.BlockSpec(b2.shape, lambda b: (0, 0)),
            pl.BlockSpec(mt.shape, lambda b: (0, 0)),
        ],
        out_specs=[
            pl.BlockSpec((1, 256, 1, 64), lambda b: (b, 0, 0, 0)),
            pl.BlockSpec((1, 256), lambda b: (0, 0)),
        ],
        out_shape=[
            jax.ShapeDtypeStruct((nb, 256, 1, 64), _F32),
            jax.ShapeDtypeStruct((1, 256), _F32),
        ],
        scratch_shapes=[pltpu.VMEM((1, 128), _F32)],
    )(p2, w2, b1, gate_w, w2c, b2, mt)


def _topk_sc_body(scores_hbm, keep_hbm, scores_v, keep_v):
    cid = jax.lax.axis_index("c")
    sid = jax.lax.axis_index("s")

    @pl.when((cid == 0) & (sid == 0))
    def _():
        pltpu.sync_copy(scores_hbm, scores_v)
        lanes = jax.lax.iota(jnp.int32, 16)
        lane0 = lanes == 0
        for c in range(16):
            keep_v[pl.ds(16 * c, 16)] = jnp.zeros((16,), _F32)

        def step(t, _):
            m = scores_v[pl.ds(0, 16)]
            mi = jnp.zeros((16,), jnp.int32)
            for c in range(1, 16):
                v = scores_v[pl.ds(16 * c, 16)]
                g = v > m
                m = jnp.where(g, v, m)
                mi = jnp.where(g, c, mi)
            _dn = jax.lax.GatherDimensionNumbers(
                offset_dims=(), collapsed_slice_dims=(0,),
                start_index_map=(0,))
            _g = functools.partial(
                jax.lax.gather, dimension_numbers=_dn, slice_sizes=(1,),
                mode=jax.lax.GatherScatterMode.PROMISE_IN_BOUNDS)
            zero16 = jnp.zeros((16, 1), jnp.int32)
            ks, _ = plsc.sort_key_val(m, lanes, descending=True)
            mxv = _g(ks, zero16)
            pv = mi * 16 + lanes
            cand = jnp.where(m == mxv, pv, jnp.full((16,), 1 << 20, jnp.int32))
            cs, _ = plsc.sort_key_val(cand, lanes)
            pos = _g(cs, zero16)
            plsc.store_scatter(keep_v, [pos],
                               jnp.ones((16,), _F32), mask=lane0)
            plsc.store_scatter(scores_v, [pos],
                               jnp.full((16,), -jnp.inf, _F32), mask=lane0)
            return 0

        jax.lax.fori_loop(0, _KC, step, 0)
        pltpu.sync_copy(keep_v, keep_hbm)


def _run_topk_sc(scores):
    mesh = plsc.VectorSubcoreMesh(core_axis_name="c", subcore_axis_name="s")
    kfn = pl.kernel(
        _topk_sc_body,
        mesh=mesh,
        compiler_params=pltpu.CompilerParams(needs_layout_passes=False),
        out_type=jax.ShapeDtypeStruct((256,), _F32),
        scratch_types=[
            pltpu.VMEM((256,), _F32),
            pltpu.VMEM((256,), _F32),
        ],
    )
    return kfn(scores)


_KT = 2048


def _fc_body(keep_ref, e_ref, x_ref, fw_ref, fb_ref, out_ref):
    kt = pl.program_id(0)
    factor = jax.lax.dot_general(
        keep_ref[...], e_ref[...], (((0,), (0,)), ((), ())),
        preferred_element_type=_F32)
    contrib = jax.lax.dot_general(
        x_ref[...] * factor, fw_ref[...], (((1,), (1,)), ((), ())),
        preferred_element_type=_F32)

    @pl.when(kt == 0)
    def _():
        out_ref[...] = fb_ref[...] + contrib

    @pl.when(kt != 0)
    def _():
        out_ref[...] += contrib


@functools.lru_cache(maxsize=1)
def _expand_matrix_np():
    e = (np.arange(_KT)[None, :] // 64 == np.arange(32)[:, None])
    return e.astype(np.float32)


def _run_fc(keep2, x_flat, fc_w, fb, nb):
    nk = 16384 // _KT
    return pl.pallas_call(
        _fc_body,
        grid=(nk,),
        in_specs=[
            pl.BlockSpec((32, 1), lambda kt: (kt, 0)),
            pl.BlockSpec((32, _KT), lambda kt: (0, 0)),
            pl.BlockSpec((nb, _KT), lambda kt: (0, kt)),
            pl.BlockSpec((1000, _KT), lambda kt: (0, kt)),
            pl.BlockSpec((1, 1000), lambda kt: (0, 0)),
        ],
        out_specs=pl.BlockSpec((nb, 1000), lambda kt: (0, 0)),
        out_shape=jax.ShapeDtypeStruct((nb, 1000), _F32),
    )(keep2, jnp.asarray(_expand_matrix_np()), x_flat, fc_w, fb)


def _s2d(x0):
    nb = x0.shape[0]
    xpad = jnp.pad(x0, ((0, 0), (0, 0), (4, 0), (4, 0)))
    s = xpad.reshape(nb, 3, 57, 4, 57, 4).transpose(0, 2, 4, 1, 3, 5)
    return s.reshape(nb, 57 * 57, 48)


@functools.lru_cache(maxsize=1)
def _shift_selectors():
    s = np.zeros((2, 2, 48, 27), np.float32)
    ymap = {0: [(3, 0)], 1: [(0, 1), (1, 2)]}
    for u in (0, 1):
        for v in (0, 1):
            for c in range(3):
                for py, dy in ymap[u]:
                    for px, dx in ymap[v]:
                        m = c * 16 + py * 4 + px
                        k = c * 9 + dy * 3 + dx
                        s[u, v, m, k] = 1.0
    return s


@functools.lru_cache(maxsize=1)
def _pool_matrix_np():
    r = np.arange(_NR)
    i, j = r // 57, r % 57
    q = (i // 7) * 8 + np.minimum(j, 55) // 7
    m = (q[:, None] == np.arange(64)[None, :]) & (j < 56)[:, None]
    return m.astype(np.float32)


def kernel(x0, conv1_w, conv1_b, conv2_w, conv2_b, fc_w, fc_b, gate_w):
    nb = x0.shape[0]
    p2 = _s2d(x0)
    cw = conv1_w.transpose(1, 2, 3, 0).reshape(27, 128)
    sel = jnp.asarray(_shift_selectors()).reshape(4, 48, 27)
    w2 = jnp.einsum('umk,ko->umo', sel, cw,
                    precision=jax.lax.Precision.HIGHEST)
    w2 = w2.astype(jnp.bfloat16)
    b1 = conv1_b.reshape(1, 128)
    w2c = conv2_w.reshape(256, 128).astype(jnp.bfloat16)
    b2 = conv2_b.reshape(1, 256)
    mt = jnp.asarray(_pool_matrix_np()).astype(jnp.bfloat16)

    pooled4, scores = _run_main(p2, w2, b1, gate_w, w2c, b2, mt)
    keep = _run_topk_sc(scores.reshape(256))

    x_flat = pooled4.reshape(nb, 16384)
    return _run_fc(keep.reshape(256, 1), x_flat, fc_w,
                   fc_b.reshape(1, 1000), nb)

# --- scband reference (transcript-rebuilt; emitter-appended) ---
"""Pipeline reference for scband-ex-naswrapper-59700045414555 (READ-ONLY COPY).

The authoritative reference and input builder live on the scoring server;
editing this copy changes nothing except your own understanding.
"""

import jax, jax.numpy as jnp
import numpy as np


def _conv2d(x, w, b, stride, pad):
    y = jax.lax.conv_general_dilated(
        x, w,
        window_strides=(stride, stride),
        padding=[(pad, pad), (pad, pad)],
        dimension_numbers=('NCHW', 'OIHW', 'NCHW'),
    )
    return y + b[None, :, None, None]


def _n_keep(n_units, bl, Bg, n_min):
    n_local = max(1, int(n_units * bl))
    n_keep = max(n_min, int(n_local * (1.0 - Bg)))
    return min(n_units, n_keep)


def setup_inputs(seed: int = 0) -> dict:
    key = jax.random.key(seed)
    ks = jax.random.split(key, 8)
    x0 = jax.random.normal(ks[0], (32, 3, 224, 224), dtype=jnp.float32)
    conv1_w = jax.random.normal(ks[1], (128, 3, 3, 3), dtype=jnp.float32) * 0.1
    conv1_b = jax.random.normal(ks[2], (128,), dtype=jnp.float32) * 0.01
    conv2_w = jax.random.normal(ks[3], (256, 128, 1, 1), dtype=jnp.float32) * 0.05
    conv2_b = jax.random.normal(ks[4], (256,), dtype=jnp.float32) * 0.01
    fc_w = jax.random.normal(ks[5], (1000, 16384), dtype=jnp.float32) * 0.01
    fc_b = jax.random.normal(ks[6], (1000,), dtype=jnp.float32) * 0.01
    # gate_conv2 init from the torch module: stacked identity blocks (out=256, in=128)
    gate_w = jnp.concatenate([jnp.eye(128, dtype=jnp.float32), jnp.eye(128, dtype=jnp.float32)], axis=0)
    return {
        'x0': x0,
        'conv1_w': conv1_w, 'conv1_b': conv1_b,
        'conv2_w': conv2_w, 'conv2_b': conv2_b,
        'fc_w': fc_w, 'fc_b': fc_b,
        'gate_w': gate_w,
    }


def reference(x0, conv1_w, conv1_b, conv2_w, conv2_b, fc_w, fc_b, gate_w):
    bl, Bg = 0.2, 0.05
    min_keep_conv2, min_keep_fc = 24, 8192
    # conv1 + relu  (stride 4 downsample: 224 -> 56)
    x1 = jax.nn.relu(_conv2d(x0, conv1_w, conv1_b, 4, 1))
    # conv2 channel scores (memory deque starts empty -> mem_factor == 1.0)
    sig = jnp.mean(jnp.abs(x1), axis=(0, 2, 3))
    pred = jax.nn.softplus(gate_w @ sig)
    scores_c = pred * 1.0
    k_c = _n_keep(scores_c.shape[0], bl, Bg, min_keep_conv2)
    _, idx_c = jax.lax.top_k(scores_c, k_c)
    # conv2 forward on kept output channels only, scatter back into zero tensor
    w_sel = conv2_w[idx_c]
    b_sel = conv2_b[idx_c]
    y_sel = _conv2d(x1, w_sel, b_sel, 1, 0)
    B = x1.shape[0]
    y = jnp.zeros((B, conv2_w.shape[0], y_sel.shape[2], y_sel.shape[3]), dtype=x1.dtype)
    y = y.at[:, idx_c, :, :].set(y_sel)
    x2 = jax.nn.relu(y)
    # AdaptiveAvgPool2d(8): 56x56 -> 8x8 (blocks of 7)
    Bb, C, H, W = x2.shape
    pooled = x2.reshape(Bb, C, 8, H // 8, 8, W // 8).mean(axis=(3, 5))
    x_flat = pooled.reshape(Bb, -1)
    # fc feature scores + top-k column selection
    scores_f = jnp.mean(jnp.abs(x_flat), axis=0)
    k_f = _n_keep(x_flat.shape[1], bl, Bg, min_keep_fc)
    _, idx_f = jax.lax.top_k(scores_f, k_f)
    out = x_flat[:, idx_f] @ fc_w[:, idx_f].T + fc_b
    # fallback_thresh=None -> no baseline re-evaluation
    return out

if __name__ == "__main__":
    import jax
    _d = setup_inputs()
    print(jax.jit(kernel)(*tuple(_d.values())))

</pallas_src>

<mosaic_0001>
#map = affine_map<(d0, d1) -> (0)>
module attributes {stable_mosaic.version = 14 : i64} {
  func.func @_topk_sc_body(%arg0: i32, %arg1: i32, %arg2: memref<256xf32, #tpu.memory_space<hbm>>, %arg3: memref<256xf32, #tpu.memory_space<hbm>>, %arg4: memref<256xf32, #tpu.memory_space<vmem>>, %arg5: memref<256xf32, #tpu.memory_space<vmem>>) attributes {dimension_semantics = [#tpu.dimension_semantics<core_parallel>, #tpu.dimension_semantics<subcore_parallel>], iteration_bounds = array<i64: 2, 16>, scalar_prefetch = 0 : i64, scratch_operands = 2 : i64, tpu.core_type = #tpu.core_type<sc_vector_subcore>, window_params = [{transform_indices = #map}, {transform_indices = #map}]} {
    %eq3A = arith.constant 0 : i32
    %eq3A_0 = arith.cmpi eq, %arg0, %eq3A : i32
    %eq3A_1 = arith.constant 0 : i32
    %eq3A_2 = arith.cmpi eq, %arg1, %eq3A_1 : i32
    %and3A = arith.andi %eq3A_0, %eq3A_2 : i1
    %convert_element_type3A = arith.extui %and3A : i1 to i32
    %cond3A = arith.constant 0 : i32
    %cond3A_3 = arith.cmpi ne, %convert_element_type3A, %cond3A : i32
    scf.if %cond3A_3 {
      "tpu.region"() ({
        %run_scoped3A = tpu.sem_alloc : memref<!tpu.dma_semaphore, #tpu.memory_space<semaphore_mem>>
        tpu.enqueue_dma source(%arg2 : memref<256xf32, #tpu.memory_space<hbm>>) target(%arg4 : memref<256xf32, #tpu.memory_space<vmem>>) target_semaphore(%run_scoped3A : memref<!tpu.dma_semaphore, #tpu.memory_space<semaphore_mem>>)
        tpu.wait_dma2 semaphore(%run_scoped3A : memref<!tpu.dma_semaphore, #tpu.memory_space<semaphore_mem>>) src(%arg2 : memref<256xf32, #tpu.memory_space<hbm>>) dst(%arg4 : memref<256xf32, #tpu.memory_space<vmem>>)
        tpu.yield
      }) : () -> ()
      %iota3A = tpu.iota {dimensions = array<i32: 0>} : vector<16xi32>
      %eq3A_4 = arith.constant 0 : i32
      %eq3A_5 = vector.broadcast %eq3A_4 : i32 to vector<16xi32>
      %eq3A_6 = arith.cmpi eq, %iota3A, %eq3A_5 : vector<16xi32>
      %broadcast_in_dim3A = arith.constant 0.000000e+00 : f32
      %broadcast_in_dim3A_7 = vector.broadcast %broadcast_in_dim3A : f32 to vector<16xf32>
      %swap3A = arith.constant 0 : index
      %swap3A_8 = tpu.vector_load %arg5[%swap3A] {strides = array<i32>} : memref<256xf32, #tpu.memory_space<vmem>>, vector<16xf32>,
      tpu.vector_store %arg5[%swap3A], %broadcast_in_dim3A_7 {strides = array<i32>} : memref<256xf32, #tpu.memory_space<vmem>>, vector<16xf32>,
      %broadcast_in_dim3A_9 = arith.constant 0.000000e+00 : f32
      %broadcast_in_dim3A_10 = vector.broadcast %broadcast_in_dim3A_9 : f32 to vector<16xf32>
      %swap3A_11 = arith.constant 16 : index
      %swap3A_12 = tpu.vector_load %arg5[%swap3A_11] {strides = array<i32>} : memref<256xf32, #tpu.memory_space<vmem>>, vector<16xf32>,
      tpu.vector_store %arg5[%swap3A_11], %broadcast_in_dim3A_10 {strides = array<i32>} : memref<256xf32, #tpu.memory_space<vmem>>, vector<16xf32>,
      %broadcast_in_dim3A_13 = arith.constant 0.000000e+00 : f32
      %broadcast_in_dim3A_14 = vector.broadcast %broadcast_in_dim3A_13 : f32 to vector<16xf32>
      %swap3A_15 = arith.constant 32 : index
      %swap3A_16 = tpu.vector_load %arg5[%swap3A_15] {strides = array<i32>} : memref<256xf32, #tpu.memory_space<vmem>>, vector<16xf32>,
      tpu.vector_store %arg5[%swap3A_15], %broadcast_in_dim3A_14 {strides = array<i32>} : memref<256xf32, #tpu.memory_space<vmem>>, vector<16xf32>,
      %broadcast_in_dim3A_17 = arith.constant 0.000000e+00 : f32
      %broadcast_in_dim3A_18 = vector.broadcast %broadcast_in_dim3A_17 : f32 to vector<16xf32>
      %swap3A_19 = arith.constant 48 : index
      %swap3A_20 = tpu.vector_load %arg5[%swap3A_19] {strides = array<i32>} : memref<256xf32, #tpu.memory_space<vmem>>, vector<16xf32>,
      tpu.vector_store %arg5[%swap3A_19], %broadcast_in_dim3A_18 {strides = array<i32>} : memref<256xf32, #tpu.memory_space<vmem>>, vector<16xf32>,
      %broadcast_in_dim3A_21 = arith.constant 0.000000e+00 : f32
      %broadcast_in_dim3A_22 = vector.broadcast %broadcast_in_dim3A_21 : f32 to vector<16xf32>
      %swap3A_23 = arith.constant 64 : index
      %swap3A_24 = tpu.vector_load %arg5[%swap3A_23] {strides = array<i32>} : memref<256xf32, #tpu.memory_space<vmem>>, vector<16xf32>,
      tpu.vector_store %arg5[%swap3A_23], %broadcast_in_dim3A_22 {strides = array<i32>} : memref<256xf32, #tpu.memory_space<vmem>>, vector<16xf32>,
      %broadcast_in_dim3A_25 = arith.constant 0.000000e+00 : f32
      %broadcast_in_dim3A_26 = vector.broadcast %broadcast_in_dim3A_25 : f32 to vector<16xf32>
      %swap3A_27 = arith.constant 80 : index
      %swap3A_28 = tpu.vector_load %arg5[%swap3A_27] {strides = array<i32>} : memref<256xf32, #tpu.memory_space<vmem>>, vector<16xf32>,
      tpu.vector_store %arg5[%swap3A_27], %broadcast_in_dim3A_26 {strides = array<i32>} : memref<256xf32, #tpu.memory_space<vmem>>, vector<16xf32>,
      %broadcast_in_dim3A_29 = arith.constant 0.000000e+00 : f32
      %broadcast_in_dim3A_30 = vector.broadcast %broadcast_in_dim3A_29 : f32 to vector<16xf32>
      %swap3A_31 = arith.constant 96 : index
      %swap3A_32 = tpu.vector_load %arg5[%swap3A_31] {strides = array<i32>} : memref<256xf32, #tpu.memory_space<vmem>>, vector<16xf32>,
      tpu.vector_store %arg5[%swap3A_31], %broadcast_in_dim3A_30 {strides = array<i32>} : memref<256xf32, #tpu.memory_space<vmem>>, vector<16xf32>,
      %broadcast_in_dim3A_33 = arith.constant 0.000000e+00 : f32
      %broadcast_in_dim3A_34 = vector.broadcast %broadcast_in_dim3A_33 : f32 to vector<16xf32>
      %swap3A_35 = arith.constant 112 : index
      %swap3A_36 = tpu.vector_load %arg5[%swap3A_35] {strides = array<i32>} : memref<256xf32, #tpu.memory_space<vmem>>, vector<16xf32>,
      tpu.vector_store %arg5[%swap3A_35], %broadcast_in_dim3A_34 {strides = array<i32>} : memref<256xf32, #tpu.memory_space<vmem>>, vector<16xf32>,
      %broadcast_in_dim3A_37 = arith.constant 0.000000e+00 : f32
      %broadcast_in_dim3A_38 = vector.broadcast %broadcast_in_dim3A_37 : f32 to vector<16xf32>
      %swap3A_39 = arith.constant 128 : index
      %swap3A_40 = tpu.vector_load %arg5[%swap3A_39] {strides = array<i32>} : memref<256xf32, #tpu.memory_space<vmem>>, vector<16xf32>,
      tpu.vector_store %arg5[%swap3A_39], %broadcast_in_dim3A_38 {strides = array<i32>} : memref<256xf32, #tpu.memory_space<vmem>>, vector<16xf32>,
      %broadcast_in_dim3A_41 = arith.constant 0.000000e+00 : f32
      %broadcast_in_dim3A_42 = vector.broadcast %broadcast_in_dim3A_41 : f32 to vector<16xf32>
      %swap3A_43 = arith.constant 144 : index
      %swap3A_44 = tpu.vector_load %arg5[%swap3A_43] {strides = array<i32>} : memref<256xf32, #tpu.memory_space<vmem>>, vector<16xf32>,
      tpu.vector_store %arg5[%swap3A_43], %broadcast_in_dim3A_42 {strides = array<i32>} : memref<256xf32, #tpu.memory_space<vmem>>, vector<16xf32>,
      %broadcast_in_dim3A_45 = arith.constant 0.000000e+00 : f32
      %broadcast_in_dim3A_46 = vector.broadcast %broadcast_in_dim3A_45 : f32 to vector<16xf32>
      %swap3A_47 = arith.constant 160 : index
      %swap3A_48 = tpu.vector_load %arg5[%swap3A_47] {strides = array<i32>} : memref<256xf32, #tpu.memory_space<vmem>>, vector<16xf32>,
      tpu.vector_store %arg5[%swap3A_47], %broadcast_in_dim3A_46 {strides = array<i32>} : memref<256xf32, #tpu.memory_space<vmem>>, vector<16xf32>,
      %broadcast_in_dim3A_49 = arith.constant 0.000000e+00 : f32
      %broadcast_in_dim3A_50 = vector.broadcast %broadcast_in_dim3A_49 : f32 to vector<16xf32>
      %swap3A_51 = arith.constant 176 : index
      %swap3A_52 = tpu.vector_load %arg5[%swap3A_51] {strides = array<i32>} : memref<256xf32, #tpu.memory_space<vmem>>, vector<16xf32>,
      tpu.vector_store %arg5[%swap3A_51], %broadcast_in_dim3A_50 {strides = array<i32>} : memref<256xf32, #tpu.memory_space<vmem>>, vector<16xf32>,
      %broadcast_in_dim3A_53 = arith.constant 0.000000e+00 : f32
      %broadcast_in_dim3A_54 = vector.broadcast %broadcast_in_dim3A_53 : f32 to vector<16xf32>
      %swap3A_55 = arith.constant 192 : index
      %swap3A_56 = tpu.vector_load %arg5[%swap3A_55] {strides = array<i32>} : memref<256xf32, #tpu.memory_space<vmem>>, vector<16xf32>,
      tpu.vector_store %arg5[%swap3A_55], %broadcast_in_dim3A_54 {strides = array<i32>} : memref<256xf32, #tpu.memory_space<vmem>>, vector<16xf32>,
      %broadcast_in_dim3A_57 = arith.constant 0.000000e+00 : f32
      %broadcast_in_dim3A_58 = vector.broadcast %broadcast_in_dim3A_57 : f32 to vector<16xf32>
      %swap3A_59 = arith.constant 208 : index
      %swap3A_60 = tpu.vector_load %arg5[%swap3A_59] {strides = array<i32>} : memref<256xf32, #tpu.memory_space<vmem>>, vector<16xf32>,
      tpu.vector_store %arg5[%swap3A_59], %broadcast_in_dim3A_58 {strides = array<i32>} : memref<256xf32, #tpu.memory_space<vmem>>, vector<16xf32>,
      %broadcast_in_dim3A_61 = arith.constant 0.000000e+00 : f32
      %broadcast_in_dim3A_62 = vector.broadcast %broadcast_in_dim3A_61 : f32 to vector<16xf32>
      %swap3A_63 = arith.constant 224 : index
      %swap3A_64 = tpu.vector_load %arg5[%swap3A_63] {strides = array<i32>} : memref<256xf32, #tpu.memory_space<vmem>>, vector<16xf32>,
      tpu.vector_store %arg5[%swap3A_63], %broadcast_in_dim3A_62 {strides = array<i32>} : memref<256xf32, #tpu.memory_space<vmem>>, vector<16xf32>,
      %broadcast_in_dim3A_65 = arith.constant 0.000000e+00 : f32
      %broadcast_in_dim3A_66 = vector.broadcast %broadcast_in_dim3A_65 : f32 to vector<16xf32>
      %swap3A_67 = arith.constant 240 : index
      %swap3A_68 = tpu.vector_load %arg5[%swap3A_67] {strides = array<i32>} : memref<256xf32, #tpu.memory_space<vmem>>, vector<16xf32>,
      tpu.vector_store %arg5[%swap3A_67], %broadcast_in_dim3A_66 {strides = array<i32>} : memref<256xf32, #tpu.memory_space<vmem>>, vector<16xf32>,
      %scan3A = arith.constant 0 : i32
      %scan3A_69 = arith.constant 0 : i32
      %scan3A_70 = arith.constant 48 : i32
      %scan3A_71 = arith.addi %scan3A_69, %scan3A_70 : i32
      %scan3A_72 = arith.constant 1 : i32
      %scan3A_73 = scf.for %scan3A_75 = %scan3A_69 to %scan3A_71 step %scan3A_72 iter_args(%scan3A_76 = %scan3A) -> (i32)  : i32 {
        %get3A = arith.constant 0 : index
        %get3A_77 = tpu.vector_load %arg4[%get3A] {strides = array<i32>} : memref<256xf32, #tpu.memory_space<vmem>>, vector<16xf32>,
        %broadcast_in_dim3A_78 = arith.constant 0 : i32
        %broadcast_in_dim3A_79 = vector.broadcast %broadcast_in_dim3A_78 : i32 to vector<16xi32>
        %get3A_80 = arith.constant 16 : index
        %get3A_81 = tpu.vector_load %arg4[%get3A_80] {strides = array<i32>} : memref<256xf32, #tpu.memory_space<vmem>>, vector<16xf32>,
        %gt3A = arith.cmpf ogt, %get3A_81, %get3A_77 : vector<16xf32>
        %select_n3A = arith.select %gt3A, %get3A_81, %get3A_77 : vector<16xi1>, vector<16xf32>
        %jit3A = arith.constant 1 : i32
        %broadcast_in_dim3A_82 = vector.broadcast %jit3A : i32 to vector<16xi32>
        %select_n3A_83 = arith.select %gt3A, %broadcast_in_dim3A_82, %broadcast_in_dim3A_79 : vector<16xi1>, vector<16xi32>
        %get3A_84 = arith.constant 32 : index
        %get3A_85 = tpu.vector_load %arg4[%get3A_84] {strides = array<i32>} : memref<256xf32, #tpu.memory_space<vmem>>, vector<16xf32>,
        %gt3A_86 = arith.cmpf ogt, %get3A_85, %select_n3A : vector<16xf32>
        %select_n3A_87 = arith.select %gt3A_86, %get3A_85, %select_n3A : vector<16xi1>, vector<16xf32>
        %jit3A_88 = arith.constant 2 : i32
        %broadcast_in_dim3A_89 = vector.broadcast %jit3A_88 : i32 to vector<16xi32>
        %select_n3A_90 = arith.select %gt3A_86, %broadcast_in_dim3A_89, %select_n3A_83 : vector<16xi1>, vector<16xi32>
        %get3A_91 = arith.constant 48 : index
        %get3A_92 = tpu.vector_load %arg4[%get3A_91] {strides = array<i32>} : memref<256xf32, #tpu.memory_space<vmem>>, vector<16xf32>,
        %gt3A_93 = arith.cmpf ogt, %get3A_92, %select_n3A_87 : vector<16xf32>
        %select_n3A_94 = arith.select %gt3A_93, %get3A_92, %select_n3A_87 : vector<16xi1>, vector<16xf32>
        %jit3A_95 = arith.constant 3 : i32
        %broadcast_in_dim3A_96 = vector.broadcast %jit3A_95 : i32 to vector<16xi32>
        %select_n3A_97 = arith.select %gt3A_93, %broadcast_in_dim3A_96, %select_n3A_90 : vector<16xi1>, vector<16xi32>
        %get3A_98 = arith.constant 64 : index
        %get3A_99 = tpu.vector_load %arg4[%get3A_98] {strides = array<i32>} : memref<256xf32, #tpu.memory_space<vmem>>, vector<16xf32>,
        %gt3A_100 = arith.cmpf ogt, %get3A_99, %select_n3A_94 : vector<16xf32>
        %select_n3A_101 = arith.select %gt3A_100, %get3A_99, %select_n3A_94 : vector<16xi1>, vector<16xf32>
        %jit3A_102 = arith.constant 4 : i32
        %broadcast_in_dim3A_103 = vector.broadcast %jit3A_102 : i32 to vector<16xi32>
        %select_n3A_104 = arith.select %gt3A_100, %broadcast_in_dim3A_103, %select_n3A_97 : vector<16xi1>, vector<16xi32>
        %get3A_105 = arith.constant 80 : index
        %get3A_106 = tpu.vector_load %arg4[%get3A_105] {strides = array<i32>} : memref<256xf32, #tpu.memory_space<vmem>>, vector<16xf32>,
        %gt3A_107 = arith.cmpf ogt, %get3A_106, %select_n3A_101 : vector<16xf32>
        %select_n3A_108 = arith.select %gt3A_107, %get3A_106, %select_n3A_101 : vector<16xi1>, vector<16xf32>
        %jit3A_109 = arith.constant 5 : i32
        %broadcast_in_dim3A_110 = vector.broadcast %jit3A_109 : i32 to vector<16xi32>
        %select_n3A_111 = arith.select %gt3A_107, %broadcast_in_dim3A_110, %select_n3A_104 : vector<16xi1>, vector<16xi32>
        %get3A_112 = arith.constant 96 : index
        %get3A_113 = tpu.vector_load %arg4[%get3A_112] {strides = array<i32>} : memref<256xf32, #tpu.memory_space<vmem>>, vector<16xf32>,
        %gt3A_114 = arith.cmpf ogt, %get3A_113, %select_n3A_108 : vector<16xf32>
        %select_n3A_115 = arith.select %gt3A_114, %get3A_113, %select_n3A_108 : vector<16xi1>, vector<16xf32>
        %jit3A_116 = arith.constant 6 : i32
        %broadcast_in_dim3A_117 = vector.broadcast %jit3A_116 : i32 to vector<16xi32>
        %select_n3A_118 = arith.select %gt3A_114, %broadcast_in_dim3A_117, %select_n3A_111 : vector<16xi1>, vector<16xi32>
        %get3A_119 = arith.constant 112 : index
        %get3A_120 = tpu.vector_load %arg4[%get3A_119] {strides = array<i32>} : memref<256xf32, #tpu.memory_space<vmem>>, vector<16xf32>,
        %gt3A_121 = arith.cmpf ogt, %get3A_120, %select_n3A_115 : vector<16xf32>
        %select_n3A_122 = arith.select %gt3A_121, %get3A_120, %select_n3A_115 : vector<16xi1>, vector<16xf32>
        %jit3A_123 = arith.constant 7 : i32
        %broadcast_in_dim3A_124 = vector.broadcast %jit3A_123 : i32 to vector<16xi32>
        %select_n3A_125 = arith.select %gt3A_121, %broadcast_in_dim3A_124, %select_n3A_118 : vector<16xi1>, vector<16xi32>
        %get3A_126 = arith.constant 128 : index
        %get3A_127 = tpu.vector_load %arg4[%get3A_126] {strides = array<i32>} : memref<256xf32, #tpu.memory_space<vmem>>, vector<16xf32>,
        %gt3A_128 = arith.cmpf ogt, %get3A_127, %select_n3A_122 : vector<16xf32>
        %select_n3A_129 = arith.select %gt3A_128, %get3A_127, %select_n3A_122 : vector<16xi1>, vector<16xf32>
        %jit3A_130 = arith.constant 8 : i32
        %broadcast_in_dim3A_131 = vector.broadcast %jit3A_130 : i32 to vector<16xi32>
        %select_n3A_132 = arith.select %gt3A_128, %broadcast_in_dim3A_131, %select_n3A_125 : vector<16xi1>, vector<16xi32>
        %get3A_133 = arith.constant 144 : index
        %get3A_134 = tpu.vector_load %arg4[%get3A_133] {strides = array<i32>} : memref<256xf32, #tpu.memory_space<vmem>>, vector<16xf32>,
        %gt3A_135 = arith.cmpf ogt, %get3A_134, %select_n3A_129 : vector<16xf32>
        %select_n3A_136 = arith.select %gt3A_135, %get3A_134, %select_n3A_129 : vector<16xi1>, vector<16xf32>
        %jit3A_137 = arith.constant 9 : i32
        %broadcast_in_dim3A_138 = vector.broadcast %jit3A_137 : i32 to vector<16xi32>
        %select_n3A_139 = arith.select %gt3A_135, %broadcast_in_dim3A_138, %select_n3A_132 : vector<16xi1>, vector<16xi32>
        %get3A_140 = arith.constant 160 : index
        %get3A_141 = tpu.vector_load %arg4[%get3A_140] {strides = array<i32>} : memref<256xf32, #tpu.memory_space<vmem>>, vector<16xf32>,
        %gt3A_142 = arith.cmpf ogt, %get3A_141, %select_n3A_136 : vector<16xf32>
        %select_n3A_143 = arith.select %gt3A_142, %get3A_141, %select_n3A_136 : vector<16xi1>, vector<16xf32>
        %jit3A_144 = arith.constant 10 : i32
        %broadcast_in_dim3A_145 = vector.broadcast %jit3A_144 : i32 to vector<16xi32>
        %select_n3A_146 = arith.select %gt3A_142, %broadcast_in_dim3A_145, %select_n3A_139 : vector<16xi1>, vector<16xi32>
        %get3A_147 = arith.constant 176 : index
        %get3A_148 = tpu.vector_load %arg4[%get3A_147] {strides = array<i32>} : memref<256xf32, #tpu.memory_space<vmem>>, vector<16xf32>,
        %gt3A_149 = arith.cmpf ogt, %get3A_148, %select_n3A_143 : vector<16xf32>
        %select_n3A_150 = arith.select %gt3A_149, %get3A_148, %select_n3A_143 : vector<16xi1>, vector<16xf32>
        %jit3A_151 = arith.constant 11 : i32
        %broadcast_in_dim3A_152 = vector.broadcast %jit3A_151 : i32 to vector<16xi32>
        %select_n3A_153 = arith.select %gt3A_149, %broadcast_in_dim3A_152, %select_n3A_146 : vector<16xi1>, vector<16xi32>
        %get3A_154 = arith.constant 192 : index
        %get3A_155 = tpu.vector_load %arg4[%get3A_154] {strides = array<i32>} : memref<256xf32, #tpu.memory_space<vmem>>, vector<16xf32>,
        %gt3A_156 = arith.cmpf ogt, %get3A_155, %select_n3A_150 : vector<16xf32>
        %select_n3A_157 = arith.select %gt3A_156, %get3A_155, %select_n3A_150 : vector<16xi1>, vector<16xf32>
        %jit3A_158 = arith.constant 12 : i32
        %broadcast_in_dim3A_159 = vector.broadcast %jit3A_158 : i32 to vector<16xi32>
        %select_n3A_160 = arith.select %gt3A_156, %broadcast_in_dim3A_159, %select_n3A_153 : vector<16xi1>, vector<16xi32>
        %get3A_161 = arith.constant 208 : index
        %get3A_162 = tpu.vector_load %arg4[%get3A_161] {strides = array<i32>} : memref<256xf32, #tpu.memory_space<vmem>>, vector<16xf32>,
        %gt3A_163 = arith.cmpf ogt, %get3A_162, %select_n3A_157 : vector<16xf32>
        %select_n3A_164 = arith.select %gt3A_163, %get3A_162, %select_n3A_157 : vector<16xi1>, vector<16xf32>
        %jit3A_165 = arith.constant 13 : i32
        %broadcast_in_dim3A_166 = vector.broadcast %jit3A_165 : i32 to vector<16xi32>
        %select_n3A_167 = arith.select %gt3A_163, %broadcast_in_dim3A_166, %select_n3A_160 : vector<16xi1>, vector<16xi32>
        %get3A_168 = arith.constant 224 : index
        %get3A_169 = tpu.vector_load %arg4[%get3A_168] {strides = array<i32>} : memref<256xf32, #tpu.memory_space<vmem>>, vector<16xf32>,
        %gt3A_170 = arith.cmpf ogt, %get3A_169, %select_n3A_164 : vector<16xf32>
        %select_n3A_171 = arith.select %gt3A_170, %get3A_169, %select_n3A_164 : vector<16xi1>, vector<16xf32>
        %jit3A_172 = arith.constant 14 : i32
        %broadcast_in_dim3A_173 = vector.broadcast %jit3A_172 : i32 to vector<16xi32>
        %select_n3A_174 = arith.select %gt3A_170, %broadcast_in_dim3A_173, %select_n3A_167 : vector<16xi1>, vector<16xi32>
        %get3A_175 = arith.constant 240 : index
        %get3A_176 = tpu.vector_load %arg4[%get3A_175] {strides = array<i32>} : memref<256xf32, #tpu.memory_space<vmem>>, vector<16xf32>,
        %gt3A_177 = arith.cmpf ogt, %get3A_176, %select_n3A_171 : vector<16xf32>
        %select_n3A_178 = arith.select %gt3A_177, %get3A_176, %select_n3A_171 : vector<16xi1>, vector<16xf32>
        %jit3A_179 = arith.constant 15 : i32
        %broadcast_in_dim3A_180 = vector.broadcast %jit3A_179 : i32 to vector<16xi32>
        %select_n3A_181 = arith.select %gt3A_177, %broadcast_in_dim3A_180, %select_n3A_174 : vector<16xi1>, vector<16xi32>
        %broadcast_in_dim3A_182 = arith.constant 0 : i32
        %broadcast_in_dim3A_183 = vector.broadcast %broadcast_in_dim3A_182 : i32 to vector<16x1xi32>
        %masked_sort3A = arith.constant dense<true> : vector<16xi1>
        %masked_sort3A_184, %masked_sort3A_185, %masked_sort3A_186 = tpu.sort %select_n3A_178, %iota3A masked %masked_sort3A {descending = true} : (vector<16xf32>, vector<16xi32>, vector<16xi1>) -> (vector<16xi1>, vector<16xf32>, vector<16xi32>)
        %gather3A = vector.shape_cast %broadcast_in_dim3A_183 : vector<16x1xi32> to vector<16xi32>
        %gather3A_187 = tpu.dynamic_gather %masked_sort3A_185[%gather3A] in [0] : vector<16xf32>, vector<16xi32> -> vector<16xf32>
        %mul3A = arith.constant 16 : i32
        %mul3A_188 = vector.broadcast %mul3A : i32 to vector<16xi32>
        %mul3A_189 = arith.muli %select_n3A_181, %mul3A_188 : vector<16xi32>
        %add3A = arith.addi %mul3A_189, %iota3A : vector<16xi32>
        %eq3A_190 = arith.cmpf oeq, %select_n3A_178, %gather3A_187 : vector<16xf32>
        %broadcast_in_dim3A_191 = arith.constant 1048576 : i32
        %broadcast_in_dim3A_192 = vector.broadcast %broadcast_in_dim3A_191 : i32 to vector<16xi32>
        %select_n3A_193 = arith.select %eq3A_190, %add3A, %broadcast_in_dim3A_192 : vector<16xi1>, vector<16xi32>
        %masked_sort3A_194 = arith.constant dense<true> : vector<16xi1>
        %masked_sort3A_195 = arith.constant -2147483648 : i32
        %masked_sort3A_196 = vector.broadcast %masked_sort3A_195 : i32 to vector<16xi32>
        %masked_sort3A_197 = arith.xori %select_n3A_193, %masked_sort3A_196 : vector<16xi32>
        %masked_sort3A_198, %masked_sort3A_199, %masked_sort3A_200 = tpu.sort %masked_sort3A_197, %iota3A masked %masked_sort3A_194 : (vector<16xi32>, vector<16xi32>, vector<16xi1>) -> (vector<16xi1>, vector<16xi32>, vector<16xi32>)
        %masked_sort3A_201 = arith.xori %masked_sort3A_199, %masked_sort3A_196 : vector<16xi32>
        %gather3A_202 = vector.shape_cast %broadcast_in_dim3A_183 : vector<16x1xi32> to vector<16xi32>
        %gather3A_203 = tpu.dynamic_gather %masked_sort3A_201[%gather3A_202] in [0] : vector<16xi32>, vector<16xi32> -> vector<16xi32>
        %broadcast_in_dim3A_204 = arith.constant 1.000000e+00 : f32
        %broadcast_in_dim3A_205 = vector.broadcast %broadcast_in_dim3A_204 : f32 to vector<16xf32>
        tpu.vector_store_idx %arg5[%gather3A_203], %broadcast_in_dim3A_205 masked %eq3A_6 : memref<256xf32, #tpu.memory_space<vmem>>[vector<16xi32>], vector<16xf32>, vector<16xi1>
        %broadcast_in_dim3A_206 = arith.constant 0xFF800000 : f32
        %broadcast_in_dim3A_207 = vector.broadcast %broadcast_in_dim3A_206 : f32 to vector<16xf32>
        tpu.vector_store_idx %arg4[%gather3A_203], %broadcast_in_dim3A_207 masked %eq3A_6 : memref<256xf32, #tpu.memory_space<vmem>>[vector<16xi32>], vector<16xf32>, vector<16xi1>
        %scan3A_208 = arith.constant 0 : i32
        scf.yield %scan3A_208 : i32
      }
      %scan3A_74 = arith.constant 48 : i32
      "tpu.region"() ({
        %run_scoped3A = tpu.sem_alloc : memref<!tpu.dma_semaphore, #tpu.memory_space<semaphore_mem>>
        tpu.enqueue_dma source(%arg5 : memref<256xf32, #tpu.memory_space<vmem>>) target(%arg3 : memref<256xf32, #tpu.memory_space<hbm>>) target_semaphore(%run_scoped3A : memref<!tpu.dma_semaphore, #tpu.memory_space<semaphore_mem>>)
        tpu.wait_dma2 semaphore(%run_scoped3A : memref<!tpu.dma_semaphore, #tpu.memory_space<semaphore_mem>>) src(%arg5 : memref<256xf32, #tpu.memory_space<vmem>>) dst(%arg3 : memref<256xf32, #tpu.memory_space<hbm>>)
        tpu.yield
      }) : () -> ()
    } else {
    }
    return
  }
}

module attributes {stable_mosaic.version = 14 : i64} {
  func.func @_main_body(%arg0: i32, %arg1: memref<1x3249x48xf32, #tpu.memory_space<vmem>>, %arg2: memref<4x48x128xbf16, #tpu.memory_space<vmem>>, %arg3: memref<1x128xf32, #tpu.memory_space<vmem>>, %arg4: memref<256x128xf32, #tpu.memory_space<vmem>>, %arg5: memref<256x128xbf16, #tpu.memory_space<vmem>>, %arg6: memref<1x256xf32, #tpu.memory_space<vmem>>, %arg7: memref<3191x64xbf16, #tpu.memory_space<vmem>>, %arg8: memref<1x256x1x64xf32, #tpu.memory_space<vmem>>, %arg9: memref<1x256xf32, #tpu.memory_space<vmem>>, %arg10: memref<1x128xf32, #tpu.memory_space<vmem>>) attributes {dimension_semantics = [#tpu.dimension_semantics<arbitrary>], iteration_bounds = array<i64: 32>, scalar_prefetch = 0 : i64, scratch_operands = 1 : i64, tpu.core_type = #tpu.core_type<tc>, window_params = [{transform_indices = @transform_0, window_bounds = array<i64: 1, 3249, 48>}, {pipeline_mode = #tpu.pipeline_mode<synchronous>, transform_indices = @transform_1, window_bounds = array<i64: 4, 48, 128>}, {pipeline_mode = #tpu.pipeline_mode<synchronous>, transform_indices = @transform_2, window_bounds = array<i64: 1, 128>}, {pipeline_mode = #tpu.pipeline_mode<synchronous>, transform_indices = @transform_3, window_bounds = array<i64: 256, 128>}, {pipeline_mode = #tpu.pipeline_mode<synchronous>, transform_indices = @transform_4, window_bounds = array<i64: 256, 128>}, {pipeline_mode = #tpu.pipeline_mode<synchronous>, transform_indices = @transform_5, window_bounds = array<i64: 1, 256>}, {pipeline_mode = #tpu.pipeline_mode<synchronous>, transform_indices = @transform_6, window_bounds = array<i64: 3191, 64>}, {transform_indices = @transform_7, window_bounds = array<i64: 1, 256, 1, 64>}, {pipeline_mode = #tpu.pipeline_mode<synchronous>, transform_indices = @transform_8, window_bounds = array<i64: 1, 256>}]} {
    %eq3A = arith.constant 0 : i32
    %eq3A_0 = arith.cmpi eq, %arg0, %eq3A : i32
    %convert_element_type3A = arith.extui %eq3A_0 : i1 to i32
    %cond3A = arith.constant 0 : i32
    %cond3A_1 = arith.cmpi ne, %convert_element_type3A, %cond3A : i32
    scf.if %cond3A_1 {
      %broadcast_in_dim3A_111 = arith.constant 0.000000e+00 : f32
      %broadcast_in_dim3A_112 = vector.broadcast %broadcast_in_dim3A_111 : f32 to vector<1x128xf32>
      %swap3A_113 = arith.constant 0 : index
      %swap3A_114 = arith.constant 0 : index
      %swap3A_115 = vector.load %arg10[%swap3A_113, %swap3A_114] : memref<1x128xf32, #tpu.memory_space<vmem>>, vector<1x128xf32>
      tpu.vector_store %arg10[%swap3A_113, %swap3A_114], %broadcast_in_dim3A_112 {strides = array<i32>} : memref<1x128xf32, #tpu.memory_space<vmem>>, vector<1x128xf32>,
    } else {
    }
    %get3A = arith.constant 0 : index
    %get3A_2 = arith.constant 0 : index
    %get3A_3 = arith.constant 0 : index
    %get3A_4 = vector.load %arg1[%get3A, %get3A_2, %get3A_3] : memref<1x3249x48xf32, #tpu.memory_space<vmem>>, vector<1x3249x48xf32>
    %get3A_5 = vector.shape_cast %get3A_4 : vector<1x3249x48xf32> to vector<3249x48xf32>
    %convert_element_type3A_6 = arith.truncf %get3A_5 : vector<3249x48xf32> to vector<3249x48xbf16>
    %slice3A = vector.extract_strided_slice %convert_element_type3A_6 {offsets = [0, 0], sizes = [3191, 48], strides = [1, 1]} : vector<3249x48xbf16> to vector<3191x48xbf16>
    %get3A_7 = arith.constant 0 : index
    %get3A_8 = arith.constant 0 : index
    %get3A_9 = arith.constant 0 : index
    %get3A_10 = vector.load %arg2[%get3A_7, %get3A_8, %get3A_9] : memref<4x48x128xbf16, #tpu.memory_space<vmem>>, vector<1x48x128xbf16>
    %get3A_11 = vector.shape_cast %get3A_10 : vector<1x48x128xbf16> to vector<48x128xbf16>
    %dot_general3A = arith.constant dense<0.000000e+00> : vector<3191x128xf32>
    %dot_general3A_12 = tpu.matmul %slice3A, %get3A_11, %dot_general3A {dimension_numbers = #tpu.dot_dimension_numbers<[1], [0], [0], [1], [0, 0, 1, 1], [], []>, transpose_lhs_hint = false} : vector<3191x48xbf16>, vector<48x128xbf16>, vector<3191x128xf32> -> vector<3191x128xf32>
    %slice3A_13 = vector.extract_strided_slice %convert_element_type3A_6 {offsets = [1, 0], sizes = [3191, 48], strides = [1, 1]} : vector<3249x48xbf16> to vector<3191x48xbf16>
    %get3A_14 = arith.constant 1 : index
    %get3A_15 = arith.constant 0 : index
    %get3A_16 = arith.constant 0 : index
    %get3A_17 = vector.load %arg2[%get3A_14, %get3A_15, %get3A_16] : memref<4x48x128xbf16, #tpu.memory_space<vmem>>, vector<1x48x128xbf16>
    %get3A_18 = vector.shape_cast %get3A_17 : vector<1x48x128xbf16> to vector<48x128xbf16>
    %dot_general3A_19 = arith.constant dense<0.000000e+00> : vector<3191x128xf32>
    %dot_general3A_20 = tpu.matmul %slice3A_13, %get3A_18, %dot_general3A_19 {dimension_numbers = #tpu.dot_dimension_numbers<[1], [0], [0], [1], [0, 0, 1, 1], [], []>, transpose_lhs_hint = false} : vector<3191x48xbf16>, vector<48x128xbf16>, vector<3191x128xf32> -> vector<3191x128xf32>
    %add3A = arith.addf %dot_general3A_12, %dot_general3A_20 : vector<3191x128xf32>
    %slice3A_21 = vector.extract_strided_slice %convert_element_type3A_6 {offsets = [57, 0], sizes = [3191, 48], strides = [1, 1]} : vector<3249x48xbf16> to vector<3191x48xbf16>
    %get3A_22 = arith.constant 2 : index
    %get3A_23 = arith.constant 0 : index
    %get3A_24 = arith.constant 0 : index
    %get3A_25 = vector.load %arg2[%get3A_22, %get3A_23, %get3A_24] : memref<4x48x128xbf16, #tpu.memory_space<vmem>>, vector<1x48x128xbf16>
    %get3A_26 = vector.shape_cast %get3A_25 : vector<1x48x128xbf16> to vector<48x128xbf16>
    %dot_general3A_27 = arith.constant dense<0.000000e+00> : vector<3191x128xf32>
    %dot_general3A_28 = tpu.matmul %slice3A_21, %get3A_26, %dot_general3A_27 {dimension_numbers = #tpu.dot_dimension_numbers<[1], [0], [0], [1], [0, 0, 1, 1], [], []>, transpose_lhs_hint = false} : vector<3191x48xbf16>, vector<48x128xbf16>, vector<3191x128xf32> -> vector<3191x128xf32>
    %add3A_29 = arith.addf %add3A, %dot_general3A_28 : vector<3191x128xf32>
    %slice3A_30 = vector.extract_strided_slice %convert_element_type3A_6 {offsets = [58, 0], sizes = [3191, 48], strides = [1, 1]} : vector<3249x48xbf16> to vector<3191x48xbf16>
    %get3A_31 = arith.constant 3 : index
    %get3A_32 = arith.constant 0 : index
    %get3A_33 = arith.constant 0 : index
    %get3A_34 = vector.load %arg2[%get3A_31, %get3A_32, %get3A_33] : memref<4x48x128xbf16, #tpu.memory_space<vmem>>, vector<1x48x128xbf16>
    %get3A_35 = vector.shape_cast %get3A_34 : vector<1x48x128xbf16> to vector<48x128xbf16>
    %dot_general3A_36 = arith.constant dense<0.000000e+00> : vector<3191x128xf32>
    %dot_general3A_37 = tpu.matmul %slice3A_30, %get3A_35, %dot_general3A_36 {dimension_numbers = #tpu.dot_dimension_numbers<[1], [0], [0], [1], [0, 0, 1, 1], [], []>, transpose_lhs_hint = false} : vector<3191x48xbf16>, vector<48x128xbf16>, vector<3191x128xf32> -> vector<3191x128xf32>
    %add3A_38 = arith.addf %add3A_29, %dot_general3A_37 : vector<3191x128xf32>
    %get3A_39 = arith.constant 0 : index
    %get3A_40 = arith.constant 0 : index
    %get3A_41 = vector.load %arg3[%get3A_39, %get3A_40] : memref<1x128xf32, #tpu.memory_space<vmem>>, vector<1x128xf32>
    %add3A_42 = vector.broadcast %get3A_41 : vector<1x128xf32> to vector<3191x128xf32>
    %add3A_43 = arith.addf %add3A_38, %add3A_42 : vector<3191x128xf32>
    %max3A = arith.constant 0.000000e+00 : f32
    %max3A_44 = vector.broadcast %max3A : f32 to vector<3191x128xf32>
    %max3A_45 = arith.maximumf %add3A_43, %max3A_44 : vector<3191x128xf32>
    %iota3A = tpu.iota {dimensions = array<i32: 0>} : vector<3191x1xi32>
    %jit3A = arith.constant 57 : i32
    %eq3A_46 = arith.constant 0 : i32
    %eq3A_47 = arith.cmpi eq, %jit3A, %eq3A_46 : i32
    %jit3A_48 = arith.constant 1 : i32
    %select_n3A = arith.select %eq3A_47, %jit3A_48, %jit3A : i32
    %rem3A = vector.broadcast %select_n3A : i32 to vector<3191x1xi32>
    %rem3A_49 = arith.remsi %iota3A, %rem3A : vector<3191x1xi32>
    %ne3A = arith.constant 0 : i32
    %ne3A_50 = vector.broadcast %ne3A : i32 to vector<3191x1xi32>
    %ne3A_51 = arith.cmpi ne, %rem3A_49, %ne3A_50 : vector<3191x1xi32>
    %lt3A = arith.constant 0 : i32
    %lt3A_52 = vector.broadcast %lt3A : i32 to vector<3191x1xi32>
    %lt3A_53 = arith.cmpi slt, %rem3A_49, %lt3A_52 : vector<3191x1xi32>
    %lt3A_54 = arith.constant 0 : i32
    %lt3A_55 = arith.cmpi slt, %select_n3A, %lt3A_54 : i32
    %ne3A_56 = vector.broadcast %lt3A_55 : i1 to vector<3191x1xi1>
    %ne3A_57 = vector.broadcast %ne3A_56 : vector<3191x1xi1> to vector<3191x1xi1>
    %ne3A_58 = arith.xori %lt3A_53, %ne3A_57 : vector<3191x1xi1>
    %and3A = arith.andi %ne3A_58, %ne3A_51 : vector<3191x1xi1>
    %add3A_59 = vector.broadcast %select_n3A : i32 to vector<3191x1xi32>
    %add3A_60 = arith.addi %rem3A_49, %add3A_59 : vector<3191x1xi32>
    %select_n3A_61 = arith.select %and3A, %add3A_60, %rem3A_49 : vector<3191x1xi1>, vector<3191x1xi32>
    %lt3A_62 = arith.constant 56 : i32
    %lt3A_63 = vector.broadcast %lt3A_62 : i32 to vector<3191x1xi32>
    %lt3A_64 = arith.cmpi slt, %select_n3A_61, %lt3A_63 : vector<3191x1xi32>
    %get3A_65 = arith.constant 0 : index
    %get3A_66 = arith.constant 0 : index
    %get3A_67 = vector.load %arg10[%get3A_65, %get3A_66] : memref<1x128xf32, #tpu.memory_space<vmem>>, vector<1x128xf32>
    %jit3A_68 = arith.constant 0.000000e+00 : f32
    %broadcast_in_dim3A = vector.shape_cast %lt3A_64 : vector<3191x1xi1> to vector<3191x1xi1>
    %broadcast_in_dim3A_69 = vector.broadcast %broadcast_in_dim3A : vector<3191x1xi1> to vector<3191x128xi1>
    %broadcast_in_dim3A_70 = vector.broadcast %jit3A_68 : f32 to vector<3191x128xf32>
    %select_n3A_71 = arith.select %broadcast_in_dim3A_69, %max3A_45, %broadcast_in_dim3A_70 : vector<3191x128xi1>, vector<3191x128xf32>
    %reduce_sum3A = arith.constant dense<0.000000e+00> : vector<128xf32>
    %reduce_sum3A_72 = vector.multi_reduction <add>, %select_n3A_71, %reduce_sum3A [0] : vector<3191x128xf32> to vector<128xf32>
    %broadcast_in_dim3A_73 = vector.shape_cast %reduce_sum3A_72 : vector<128xf32> to vector<1x128xf32>
    %add3A_74 = arith.addf %get3A_67, %broadcast_in_dim3A_73 : vector<1x128xf32>
    %swap3A = arith.constant 0 : index
    %swap3A_75 = arith.constant 0 : index
    %swap3A_76 = vector.load %arg10[%swap3A, %swap3A_75] : memref<1x128xf32, #tpu.memory_space<vmem>>, vector<1x128xf32>
    tpu.vector_store %arg10[%swap3A, %swap3A_75], %add3A_74 {strides = array<i32>} : memref<1x128xf32, #tpu.memory_space<vmem>>, vector<1x128xf32>,
    %convert_element_type3A_77 = arith.truncf %max3A_45 : vector<3191x128xf32> to vector<3191x128xbf16>
    %get3A_78 = arith.constant 0 : index
    %get3A_79 = arith.constant 0 : index
    %get3A_80 = vector.load %arg5[%get3A_78, %get3A_79] : memref<256x128xbf16, #tpu.memory_space<vmem>>, vector<256x128xbf16>
    %dot_general3A_81 = arith.constant dense<0.000000e+00> : vector<3191x256xf32>
    %dot_general3A_82 = tpu.matmul %convert_element_type3A_77, %get3A_80, %dot_general3A_81 {dimension_numbers = #tpu.dot_dimension_numbers<[1], [1], [0], [0], [0, 0, 1, 0], [], []>, transpose_lhs_hint = false} : vector<3191x128xbf16>, vector<256x128xbf16>, vector<3191x256xf32> -> vector<3191x256xf32>
    %get3A_83 = arith.constant 0 : index
    %get3A_84 = arith.constant 0 : index
    %get3A_85 = vector.load %arg6[%get3A_83, %get3A_84] : memref<1x256xf32, #tpu.memory_space<vmem>>, vector<1x256xf32>
    %add3A_86 = vector.broadcast %get3A_85 : vector<1x256xf32> to vector<3191x256xf32>
    %add3A_87 = arith.addf %dot_general3A_82, %add3A_86 : vector<3191x256xf32>
    %max3A_88 = arith.constant 0.000000e+00 : f32
    %max3A_89 = vector.broadcast %max3A_88 : f32 to vector<3191x256xf32>
    %max3A_90 = arith.maximumf %add3A_87, %max3A_89 : vector<3191x256xf32>
    %convert_element_type3A_91 = arith.truncf %max3A_90 : vector<3191x256xf32> to vector<3191x256xbf16>
    %get3A_92 = arith.constant 0 : index
    %get3A_93 = arith.constant 0 : index
    %get3A_94 = vector.load %arg7[%get3A_92, %get3A_93] : memref<3191x64xbf16, #tpu.memory_space<vmem>>, vector<3191x64xbf16>
    %dot_general3A_95 = arith.constant dense<0.000000e+00> : vector<256x64xf32>
    %dot_general3A_96 = tpu.matmul %convert_element_type3A_91, %get3A_94, %dot_general3A_95 {dimension_numbers = #tpu.dot_dimension_numbers<[0], [0], [1], [1], [0, 1, 1, 1], [], []>, transpose_lhs_hint = false} : vector<3191x256xbf16>, vector<3191x64xbf16>, vector<256x64xf32> -> vector<256x64xf32>
    %mul3A = arith.constant 0.0204081628 : f32
    %mul3A_97 = vector.broadcast %mul3A : f32 to vector<256x64xf32>
    %mul3A_98 = arith.mulf %dot_general3A_96, %mul3A_97 : vector<256x64xf32>
    %reshape3A = vector.shape_cast %mul3A_98 : vector<256x64xf32> to vector<256x1x64xf32>
    %swap3A_99 = arith.constant 0 : index
    %swap3A_100 = arith.constant 0 : index
    %swap3A_101 = arith.constant 0 : index
    %swap3A_102 = arith.constant 0 : index
    %swap3A_103 = vector.load %arg8[%swap3A_99, %swap3A_100, %swap3A_101, %swap3A_102] : memref<1x256x1x64xf32, #tpu.memory_space<vmem>>, vector<1x256x1x64xf32>
    %swap3A_104 = vector.shape_cast %swap3A_103 : vector<1x256x1x64xf32> to vector<256x1x64xf32>
    %swap3A_105 = vector.shape_cast %reshape3A : vector<256x1x64xf32> to vector<1x256x1x64xf32>
    tpu.vector_store %arg8[%swap3A_99, %swap3A_100, %swap3A_101, %swap3A_102], %swap3A_105 {strides = array<i32>} : memref<1x256x1x64xf32, #tpu.memory_space<vmem>>, vector<1x256x1x64xf32>,
    %eq3A_106 = arith.constant 31 : i32
    %eq3A_107 = arith.cmpi eq, %arg0, %eq3A_106 : i32
    %convert_element_type3A_108 = arith.extui %eq3A_107 : i1 to i32
    %cond3A_109 = arith.constant 0 : i32
    %cond3A_110 = arith.cmpi ne, %convert_element_type3A_108, %cond3A_109 : i32
    scf.if %cond3A_110 {
      %get3A_111 = arith.constant 0 : index
      %get3A_112 = arith.constant 0 : index
      %get3A_113 = vector.load %arg10[%get3A_111, %get3A_112] : memref<1x128xf32, #tpu.memory_space<vmem>>, vector<1x128xf32>
      %mul3A_114 = arith.constant 9.96492326E-6 : f32
      %mul3A_115 = vector.broadcast %mul3A_114 : f32 to vector<1x128xf32>
      %mul3A_116 = arith.mulf %get3A_113, %mul3A_115 : vector<1x128xf32>
      %convert_element_type3A_117 = arith.truncf %mul3A_116 : vector<1x128xf32> to vector<1x128xbf16>
      %get3A_118 = arith.constant 0 : index
      %get3A_119 = arith.constant 0 : index
      %get3A_120 = vector.load %arg4[%get3A_118, %get3A_119] : memref<256x128xf32, #tpu.memory_space<vmem>>, vector<256x128xf32>
      %convert_element_type3A_121 = arith.truncf %get3A_120 : vector<256x128xf32> to vector<256x128xbf16>
      %dot_general3A_122 = arith.constant dense<0.000000e+00> : vector<1x256xf32>
      %dot_general3A_123 = tpu.matmul %convert_element_type3A_117, %convert_element_type3A_121, %dot_general3A_122 {dimension_numbers = #tpu.dot_dimension_numbers<[1], [1], [0], [0], [0, 0, 1, 0], [], []>, transpose_lhs_hint = false} : vector<1x128xbf16>, vector<256x128xbf16>, vector<1x256xf32> -> vector<1x256xf32>
      %swap3A_124 = arith.constant 0 : index
      %swap3A_125 = arith.constant 0 : index
      %swap3A_126 = vector.load %arg9[%swap3A_124, %swap3A_125] : memref<1x256xf32, #tpu.memory_space<vmem>>, vector<1x256xf32>
      tpu.vector_store %arg9[%swap3A_124, %swap3A_125], %dot_general3A_123 {strides = array<i32>} : memref<1x256xf32, #tpu.memory_space<vmem>>, vector<1x256xf32>,
    } else {
    }
    return
  }
  func.func @transform_0(%arg0: i32) -> (i32, i32, i32) {
    %c0_i32 = arith.constant 0 : i32
    %c0_i32_0 = arith.constant 0 : i32
    %c0_i32_1 = arith.constant 0 : i32
    return %arg0, %c0_i32, %c0_i32_0 : i32, i32, i32
  }
  func.func @transform_1(%arg0: i32) -> (i32, i32, i32) {
    %c0_i32 = arith.constant 0 : i32
    %c0_i32_0 = arith.constant 0 : i32
    %c0_i32_1 = arith.constant 0 : i32
    %c0_i32_2 = arith.constant 0 : i32
    return %c0_i32, %c0_i32_0, %c0_i32_1 : i32, i32, i32
  }
  func.func @transform_2(%arg0: i32) -> (i32, i32) {
    %c0_i32 = arith.constant 0 : i32
    %c0_i32_0 = arith.constant 0 : i32
    %c0_i32_1 = arith.constant 0 : i32
    return %c0_i32, %c0_i32_0 : i32, i32
  }
  func.func @transform_3(%arg0: i32) -> (i32, i32) {
    %c0_i32 = arith.constant 0 : i32
    %c0_i32_0 = arith.constant 0 : i32
    %c0_i32_1 = arith.constant 0 : i32
    return %c0_i32, %c0_i32_0 : i32, i32
  }
  func.func @transform_4(%arg0: i32) -> (i32, i32) {
    %c0_i32 = arith.constant 0 : i32
    %c0_i32_0 = arith.constant 0 : i32
    %c0_i32_1 = arith.constant 0 : i32
    return %c0_i32, %c0_i32_0 : i32, i32
  }
  func.func @transform_5(%arg0: i32) -> (i32, i32) {
    %c0_i32 = arith.constant 0 : i32
    %c0_i32_0 = arith.constant 0 : i32
    %c0_i32_1 = arith.constant 0 : i32
    return %c0_i32, %c0_i32_0 : i32, i32
  }
  func.func @transform_6(%arg0: i32) -> (i32, i32) {
    %c0_i32 = arith.constant 0 : i32
    %c0_i32_0 = arith.constant 0 : i32
    %c0_i32_1 = arith.constant 0 : i32
    return %c0_i32, %c0_i32_0 : i32, i32
  }
  func.func @transform_7(%arg0: i32) -> (i32, i32, i32, i32) {
    %c0_i32 = arith.constant 0 : i32
    %c0_i32_0 = arith.constant 0 : i32
    %c0_i32_1 = arith.constant 0 : i32
    %c0_i32_2 = arith.constant 0 : i32
    return %arg0, %c0_i32, %c0_i32_0, %c0_i32_1 : i32, i32, i32, i32
  }
  func.func @transform_8(%arg0: i32) -> (i32, i32) {
    %c0_i32 = arith.constant 0 : i32
    %c0_i32_0 = arith.constant 0 : i32
    %c0_i32_1 = arith.constant 0 : i32
    return %c0_i32, %c0_i32_0 : i32, i32
  }
}

module attributes {stable_mosaic.version = 14 : i64} {
  func.func @_fc_body(%arg0: i32, %arg1: memref<32x1xf32, #tpu.memory_space<vmem>>, %arg2: memref<32x2048xf32, #tpu.memory_space<vmem>>, %arg3: memref<32x2048xf32, #tpu.memory_space<vmem>>, %arg4: memref<1000x2048xf32, #tpu.memory_space<vmem>>, %arg5: memref<1x1000xf32, #tpu.memory_space<vmem>>, %arg6: memref<32x1000xf32, #tpu.memory_space<vmem>>) attributes {dimension_semantics = [#tpu.dimension_semantics<arbitrary>], iteration_bounds = array<i64: 8>, scalar_prefetch = 0 : i64, scratch_operands = 0 : i64, tpu.core_type = #tpu.core_type<tc>, window_params = [{transform_indices = @transform_0, window_bounds = array<i64: 32, 1>}, {pipeline_mode = #tpu.pipeline_mode<synchronous>, transform_indices = @transform_1, window_bounds = array<i64: 32, 2048>}, {transform_indices = @transform_2, window_bounds = array<i64: 32, 2048>}, {transform_indices = @transform_3, window_bounds = array<i64: 1000, 2048>}, {pipeline_mode = #tpu.pipeline_mode<synchronous>, transform_indices = @transform_4, window_bounds = array<i64: 1, 1000>}, {pipeline_mode = #tpu.pipeline_mode<synchronous>, transform_indices = @transform_5, window_bounds = array<i64: 32, 1000>}]} {
    %get3A = arith.constant 0 : index
    %get3A_0 = arith.constant 0 : index
    %get3A_1 = vector.load %arg1[%get3A, %get3A_0] : memref<32x1xf32, #tpu.memory_space<vmem>>, vector<32x1xf32>
    %get3A_2 = arith.constant 0 : index
    %get3A_3 = arith.constant 0 : index
    %get3A_4 = vector.load %arg2[%get3A_2, %get3A_3] : memref<32x2048xf32, #tpu.memory_space<vmem>>, vector<32x2048xf32>
    %dot_general3A = arith.constant dense<0.000000e+00> : vector<1x2048xf32>
    %dot_general3A_5 = tpu.matmul %get3A_1, %get3A_4, %dot_general3A {dimension_numbers = #tpu.dot_dimension_numbers<[0], [0], [1], [1], [0, 1, 1, 1], [], []>, transpose_lhs_hint = false} : vector<32x1xf32>, vector<32x2048xf32>, vector<1x2048xf32> -> vector<1x2048xf32>
    %get3A_6 = arith.constant 0 : index
    %get3A_7 = arith.constant 0 : index
    %get3A_8 = vector.load %arg3[%get3A_6, %get3A_7] : memref<32x2048xf32, #tpu.memory_space<vmem>>, vector<32x2048xf32>
    %mul3A = vector.broadcast %dot_general3A_5 : vector<1x2048xf32> to vector<32x2048xf32>
    %mul3A_9 = arith.mulf %get3A_8, %mul3A : vector<32x2048xf32>
    %get3A_10 = arith.constant 0 : index
    %get3A_11 = arith.constant 0 : index
    %get3A_12 = vector.load %arg4[%get3A_10, %get3A_11] : memref<1000x2048xf32, #tpu.memory_space<vmem>>, vector<1000x2048xf32>
    %dot_general3A_13 = arith.constant dense<0.000000e+00> : vector<32x1000xf32>
    %dot_general3A_14 = tpu.matmul %mul3A_9, %get3A_12, %dot_general3A_13 {dimension_numbers = #tpu.dot_dimension_numbers<[1], [1], [0], [0], [0, 0, 1, 0], [], []>, transpose_lhs_hint = false} : vector<32x2048xf32>, vector<1000x2048xf32>, vector<32x1000xf32> -> vector<32x1000xf32>
    %eq3A = arith.constant 0 : i32
    %eq3A_15 = arith.cmpi eq, %arg0, %eq3A : i32
    %convert_element_type3A = arith.extui %eq3A_15 : i1 to i32
    %cond3A = arith.constant 0 : i32
    %cond3A_16 = arith.cmpi ne, %convert_element_type3A, %cond3A : i32
    scf.if %cond3A_16 {
      %get3A_21 = arith.constant 0 : index
      %get3A_22 = arith.constant 0 : index
      %get3A_23 = vector.load %arg5[%get3A_21, %get3A_22] : memref<1x1000xf32, #tpu.memory_space<vmem>>, vector<1x1000xf32>
      %add3A = vector.broadcast %get3A_23 : vector<1x1000xf32> to vector<32x1000xf32>
      %add3A_24 = arith.addf %add3A, %dot_general3A_14 : vector<32x1000xf32>
      %swap3A = arith.constant 0 : index
      %swap3A_25 = arith.constant 0 : index
      %swap3A_26 = vector.load %arg6[%swap3A, %swap3A_25] : memref<32x1000xf32, #tpu.memory_space<vmem>>, vector<32x1000xf32>
      tpu.vector_store %arg6[%swap3A, %swap3A_25], %add3A_24 {strides = array<i32>} : memref<32x1000xf32, #tpu.memory_space<vmem>>, vector<32x1000xf32>,
    } else {
    }
    %ne3A = arith.constant 0 : i32
    %ne3A_17 = arith.cmpi ne, %arg0, %ne3A : i32
    %convert_element_type3A_18 = arith.extui %ne3A_17 : i1 to i32
    %cond3A_19 = arith.constant 0 : i32
    %cond3A_20 = arith.cmpi ne, %convert_element_type3A_18, %cond3A_19 : i32
    scf.if %cond3A_20 {
      %get3A_21 = arith.constant 0 : index
      %get3A_22 = arith.constant 0 : index
      %get3A_23 = vector.load %arg6[%get3A_21, %get3A_22] : memref<32x1000xf32, #tpu.memory_space<vmem>>, vector<32x1000xf32>
      %add3A = arith.addf %get3A_23, %dot_general3A_14 : vector<32x1000xf32>
      %swap3A = arith.constant 0 : index
      %swap3A_24 = arith.constant 0 : index
      %swap3A_25 = vector.load %arg6[%swap3A, %swap3A_24] : memref<32x1000xf32, #tpu.memory_space<vmem>>, vector<32x1000xf32>
      tpu.vector_store %arg6[%swap3A, %swap3A_24], %add3A {strides = array<i32>} : memref<32x1000xf32, #tpu.memory_space<vmem>>, vector<32x1000xf32>,
    } else {
    }
    return
  }
  func.func @transform_0(%arg0: i32) -> (i32, i32) {
    %c0_i32 = arith.constant 0 : i32
    %c0_i32_0 = arith.constant 0 : i32
    return %arg0, %c0_i32 : i32, i32
  }
  func.func @transform_1(%arg0: i32) -> (i32, i32) {
    %c0_i32 = arith.constant 0 : i32
    %c0_i32_0 = arith.constant 0 : i32
    %c0_i32_1 = arith.constant 0 : i32
    return %c0_i32, %c0_i32_0 : i32, i32
  }
  func.func @transform_2(%arg0: i32) -> (i32, i32) {
    %c0_i32 = arith.constant 0 : i32
    %c0_i32_0 = arith.constant 0 : i32
    return %c0_i32, %arg0 : i32, i32
  }
  func.func @transform_3(%arg0: i32) -> (i32, i32) {
    %c0_i32 = arith.constant 0 : i32
    %c0_i32_0 = arith.constant 0 : i32
    return %c0_i32, %arg0 : i32, i32
  }
  func.func @transform_4(%arg0: i32) -> (i32, i32) {
    %c0_i32 = arith.constant 0 : i32
    %c0_i32_0 = arith.constant 0 : i32
    %c0_i32_1 = arith.constant 0 : i32
    return %c0_i32, %c0_i32_0 : i32, i32
  }
  func.func @transform_5(%arg0: i32) -> (i32, i32) {
    %c0_i32 = arith.constant 0 : i32
    %c0_i32_0 = arith.constant 0 : i32
    %c0_i32_1 = arith.constant 0 : i32
    return %c0_i32, %c0_i32_0 : i32, i32
  }
}

</mosaic_0001>

<sc_bundles>
// kernel: kernel.5.cloned.1.call-start
scs
__scs_entry_jumppad:
0x0: {  	(pc) =	sbr.rel $0x88, $3  }
0x1: {  	(tag) =	ssettag $0x0;
	lr =	simm.s32 $0x1  }
0x2: {  	[smem:$0x3F99] =	sst lr;
	_ =	strace $0xD0000000  }
0x3: {  	_ = 	snop  }
0x4: {  	_ = 	snop  }
0x5: {  	_ = 	snop  }
0x6: {  	_ = 	snop  }
0x7: {  	_ = 	snop  }
__scs_overlays_trampoline_lowered:
0x8: {  	[smem:$0x3FA8] =	sst s0  }
0x9: {  	[smem:$0x3FA9] =	sst s1  }
0xa: {  	[smem:$0x3FAA] =	sst s2  }
0xb: {  	[smem:$0x3FAB] =	sst s3  }
0xc: {  	[smem:$0x3FAC] =	sst s4  }
0xd: {  	[smem:$0x3FAD] =	sst s5  }
0xe: {  	[smem:$0x3FAE] =	sst s6  }
0xf: {  	[smem:$0x3FAF] =	sst s7  }
0x10: {  	[smem:$0x3FB0] =	sst s8  }
0x11: {  	[smem:$0x3FB1] =	sst s9;
	s0 =	simm.s32 @!p0 $0x0  }
0x12: {  	s1 =	sld [smem:$0x3F97];
	s0 =	simm.s32 @p0 $0x1  }
0x13: {  	[smem:$0x3FB2] =	sst s0;
	s0 =	simm.s32 @!p1 $0x0  }
0x14: {  	s2 =	sld [smem:$0x3F96];
	s0 =	simm.s32 @p1 $0x1  }
0x15: {  	[smem:$0x3FB3] =	sst s0;
	s0 =	simm.s32 @!p2 $0x0  }
0x16: {  	s3 =	sld [smem:$0x3FDB];
	s0 =	simm.s32 @p2 $0x1  }
0x17: {  	s4 =	simm.s32 $0x1BF5;
	[smem:$0x3FB5] =	sst s0  }
0x18: {  	s0 =	sld [smem:$0x3F98];
	_ =	swait.ge [sflag:s4], $0x0  }
0x19: {  	s7 =	sld [smem:$0x3F99]  }
0x1a: {  	s8 =	sadd.s32 $0xFFFFE003, lr  }
0x1b: {  	s9 =	sadd.s32 $0xFFFFFEF7, lr;
	s5 =	simm.s32 $0xFFFFFFFF;
	p2 =	slt.u32 s8, $0xFFFFF086  }
0x1c: {  	p1 =	slt.u32 s9, $0xF7A;
	s5 =	simm.s32 @!p2 $0x0  }
0x1d: {  	s5 =	simm.s32 @p1 $0x1;
	p0 =	seq.s32 s7, s2  }
0x1e: {  	s7 =	smul.u32 @!p0 $0xF7A, s2;
	p2 =	seq.s32 @!p0 s5, $0x0  }
0x1f: {  	s9 =	smul.u32 $0xF7A, s1;
	s8 =	simm.s32 @!p0 $0x1BF5;
	p2 =	por !p2, p0  }
0x20: {  	[sflag:s8] =	ssyncset.s32 @!p0 $0xFFFFF086;
	s6 =	sadd.s32 @!p0 s3, s7;
	s7 =	simm.s32 @!p0 $0x108  }
0x21: {  	s3 =	sadd.s32 s3, s9;
	s6 =	sadd.s32 @!p0 $0x88, s6;
	s7 =	simm.s32 @p2 $0x1082  }
0x22: {  	[simem:s7], [sflag:s8] =	dma.local @!p0 [hbm:s6], $0xF7A  }
0x23: {  	s9 =	sor.u32 $0xD0000000, s2;
	s6 =	simm.s32 $0x108;
	_ =	swait.ge @!p0 [sflag:s8], $0x0  }
0x24: {  	s3 =	sadd.s32 $0x88, s3;
	s6 =	simm.s32 @!p1 $0x1082;
	[sflag:s4] =	ssyncset.s32 $0xFFFFF086  }
0x25: {  	[simem:s6], [sflag:s4] =	dma.local [hbm:s3], $0xF7A  }
0x26: {  	[smem:$0x3F99] =	sst s1;
	(tag) =	ssettag s2;
	_ =	strace s9  }
0x27: {  	s1 =	sld [smem:$0x3FA9]  }
0x28: {  	s2 =	sld [smem:$0x3FAA]  }
0x29: {  	s4 =	sld [smem:$0x3FAC]  }
0x2a: {  	p0 =	seq.s32 s5, $0x0;
	s5 =	sld [smem:$0x3FAD]  }
0x2b: {  	s6 =	sld [smem:$0x3FAE]  }
0x2c: {  	s7 =	sld [smem:$0x3FAF]  }
0x2d: {  	s3 =	simm.s32 $0x108;
	s8 =	sld [smem:$0x3FB0]  }
0x2e: {  	s3 =	simm.s32 @!p0 $0x1082;
	s9 =	sld [smem:$0x3FB1]  }
0x2f: {  	lr =	sadd.s32 s0, s3;
	s0 =	sld [smem:$0x3FA8]  }
0x30: {  	s3 =	sld [smem:$0x3FAB]  }
0x31: {  	[smem:$0x3FB4] =	sst s10  }
0x32: {  	s10 =	sld [smem:$0x3FB2];
	_ =	sdelay $0x3  }
0x33: {  	p0 =	seq.s32 s10, $0x1;
	s10 =	sld [smem:$0x3FB4];
	_ =	sdelay $0x3  }
0x34: {  	[smem:$0x3FB4] =	sst s10  }
0x35: {  	s10 =	sld [smem:$0x3FB3];
	_ =	sdelay $0x3  }
0x36: {  	p1 =	seq.s32 s10, $0x1;
	s10 =	sld [smem:$0x3FB4];
	_ =	sdelay $0x3  }
0x37: {  	[smem:$0x3FB4] =	sst s10  }
0x38: {  	s10 =	sld [smem:$0x3FB5]  }
0x39: {  	_ = 	snop;
	(pc) =	sbr.ind lr, $3  }
0x3a: {  	_ = 	snop  }
0x3b: {  	_ = 	snop  }
0x3c: {  	p2 =	seq.s32 s10, $0x1;
	s10 =	sld [smem:$0x3FB4]  }
0x3d: {  	_ =	shalt  }
0x3e: {  	_ =	shalt  }
0x3f: {  	_ =	shalt  }
0x40: {  	_ =	shalt  }
0x41: {  	_ =	shalt  }
0x42: {  	_ =	shalt  }
0x43: {  	_ =	shalt  }
0x44: {  	_ =	shalt  }
0x45: {  	_ =	shalt  }
0x46: {  	_ =	shalt  }
0x47: {  	_ =	shalt  }
0x48: {  	_ =	shalt  }
0x49: {  	_ =	shalt  }
0x4a: {  	_ =	shalt  }
0x4b: {  	_ =	shalt  }
0x4c: {  	_ =	shalt  }
0x4d: {  	_ =	shalt  }
0x4e: {  	_ =	shalt  }
0x4f: {  	_ =	shalt  }
0x50: {  	_ =	shalt  }
0x51: {  	_ =	shalt  }
0x52: {  	_ =	shalt  }
0x53: {  	_ =	shalt  }
0x54: {  	_ =	shalt  }
0x55: {  	_ =	shalt  }
0x56: {  	_ =	shalt  }
0x57: {  	_ =	shalt  }
0x58: {  	_ =	shalt  }
0x59: {  	_ =	shalt  }
0x5a: {  	_ =	shalt  }
0x5b: {  	_ =	shalt  }
0x5c: {  	_ =	shalt  }
0x5d: {  	_ =	shalt  }
0x5e: {  	_ =	shalt  }
0x5f: {  	_ =	shalt  }
0x60: {  	_ =	shalt  }
0x61: {  	_ =	shalt  }
0x62: {  	_ =	shalt  }
0x63: {  	_ =	shalt  }
0x64: {  	_ =	shalt  }
0x65: {  	_ =	shalt  }
0x66: {  	_ =	shalt  }
0x67: {  	_ =	shalt  }
0x68: {  	_ =	shalt  }
0x69: {  	_ =	shalt  }
0x6a: {  	_ =	shalt  }
0x6b: {  	_ =	shalt  }
0x6c: {  	_ =	shalt  }
0x6d: {  	_ =	shalt  }
0x6e: {  	_ =	shalt  }
0x6f: {  	_ =	shalt  }
0x70: {  	_ =	shalt  }
0x71: {  	_ =	shalt  }
0x72: {  	_ =	shalt  }
0x73: {  	_ =	shalt  }
0x74: {  	_ =	shalt  }
0x75: {  	_ =	shalt  }
0x76: {  	_ =	shalt  }
0x77: {  	_ =	shalt  }
0x78: {  	_ =	shalt  }
0x79: {  	_ =	shalt  }
0x7a: {  	_ =	shalt  }
0x7b: {  	_ =	shalt  }
0x7c: {  	_ =	shalt  }
0x7d: {  	_ =	shalt  }
0x7e: {  	_ =	shalt  }
0x7f: {  	_ =	shalt  }
0x80: {  	_ =	shalt  }
0x81: {  	_ =	shalt  }
0x82: {  	_ =	shalt  }
0x83: {  	_ =	shalt  }
0x84: {  	_ =	shalt  }
0x85: {  	_ =	shalt  }
0x86: {  	_ =	shalt  }
0x87: {  	_ =	shalt  }
.Lfunc_end0:
.L_simem_size_0:
called_computation_lowered:
.L_overlay_start_0:
0x88: {  	s2 =	sld [smem:$0x3FD9]  }
0x89: {  	s3 =	sld [smem:$0x3FFE];
	_ =	sdelay $0x1  }
0x8a: {  	s1 =	srdreg.scid  }
0x8b: {  	s0 =	sand.u32 $0x1, s1  }
0x8c: {  	s17 =	sshll.u32 s0, $0xA;
	s2 =	sadd.s32 s3, s2  }
0x8d: {  	s2 =	sadd.s32 s2, s17  }
0x8e: {  	[smem:$0x3FC0] =	sst s2  }
0x8f: {  	_ = 	snop  }
0x90: {  	s2 =	sld [smem:$0x3FD0];
	(tm) =	ssettm $0x1  }
0x91: {  	s18 =	sld [smem:$0x3FFB];
	_ =	sdelay $0x3  }
0x92: {  	_ =	strace s18  }
0x93: {  	s3 =	sld [smem:$0x3FFC];
	_ =	sdelay $0x3  }
0x94: {  	_ =	strace s3  }
0x95: {  	s3 =	sld [smem:$0x3FFD];
	_ =	sdelay $0x3  }
0x96: {  	_ =	strace s3  }
0x97: {  	_ =	strace $0x8FFFFFFF  }
0x98: {  	s19 =	sld [smem:$0x3FDB];
	_ =	sdelay $0x1  }
0x99: {  	s4 =	simm.s32 $_scs_section_size  }
0x9a: {  	s5 =	simm.s32 $_size__tile_overlayer_lowered;
	s6 =	simm.s32 $_tile_overlayer_lowered  }
0x9b: {  	s22 =	simm.s32 $0x1BFF;
	s21 =	sshll.u32 s6, $0x1;
	s3 =	sadd.s32 s4, s19  }
0x9c: {  	s7 =	simm.s32 $0x0;
	s20 =	sshll.u32 s5, $0x1;
	s5 =	sadd.s32 s21, s3  }
0x9d: {  	[timem:s7], [sflag:s22] =	dma.local [hbm:s5], s20  }
0x9e: {  	_ =	swait.ge [sflag:s22], s20  }
0x9f: {  	s4 =	ssub.s32 $0x0, s20;
	[sflag:s22] =	ssyncset.done $0x0  }
0xa0: {  	[sflag:s22] =	ssyncadd.s32 s4;
	_ =	sdelay $0x1  }
0xa1: {  	s23 =	simm.s32 $0x1B8B  }
0xa2: {  	_ =	swait.ge [sflag:s23], $0x1  }
0xa3: {  	[sflag:s23] =	ssyncset.done $0x0  }
0xa4: {  	s25 =	simm.s32 $0x1B8E;
	s24 =	sld [smem:$0x3FFE];
	[sflag:s23] =	ssyncadd.s32 $0xFFFFFFFF  }
0xa5: {  	s26 =	simm.s32 $execute0_lowered;
	[smem:$0x3FD2] =	sst s25  }
0xa6: {  	s5 =	sshll.u32 s26, $0x1;
	_ =	strace $0x80000046;
	[dreg:$0x1] =	wrdreg $0xFFFFFFFF  }
0xa7: {  	s28 =	simm.s32 $_size_execute0_lowered;
	s3 =	sadd.s32 s3, s5;
	[dreg:$0x0] =	wrdreg $0x0  }
0xa8: {  	s5 =	sshll.u32 s28, $0x1;
	[dreg:$0x2] =	wrdreg s3  }
0xa9: {  	[dreg:$0x3] =	wrdreg s5  }
0xaa: {  	[dreg:$0x4] =	wrdreg $0xC0  }
0xab: {  	_ =	task [dreg:s7], $0x5FFFF  }
0xac: {  	[dreg:$0x1] =	wrdreg $0xFFFFFFFF  }
0xad: {  	[dreg:$0x0] =	wrdreg $0x60  }
0xae: {  	[dreg:$0x2] =	wrdreg s2  }
0xaf: {  	[dreg:$0x3] =	wrdreg s24  }
0xb0: {  	[dreg:$0x4] =	wrdreg $0x9  }
0xb1: {  	_ =	task.clear_ibuf [dreg:s7], $0x5FFFF;
	_ =	strace $0x90000046  }
0xb2: {  	s29 =	simm.s32 $0x9;
	_ =	strace $0x80000048  }
0xb3: {  	_ =	swait.ge [sflag:s29], $0x1  }
0xb4: {  	[sflag:s29] =	ssyncadd.s32 $0xFFFFFFFF  }
0xb5: {  	_ =	strace $0x90000048  }
0xb6: {  	_ =	sfence  }
0xb7: {  	s30 =	sld [smem:$0x0];
	_ =	sdelay $0x2  }
0xb8: {  	s31 =	sshll.u32 s1, $0xD;
	s1 =	sshrl.u32 s1, $0x2  }
0xb9: {  	s3 =	sand.u32 $0x4000, s31;
	s1 =	sadd.s32 s1, s30  }
0xba: {  	s0 =	sor.u32 s3, s0;
	s1 =	sshll.u32 s1, $0x11  }
0xbb: {  	s0 =	sor.u32 s1, s0  }
0xbc: {  	s0 =	sadd.s32 $0x8F2B, s0  }
0xbd: {  	[sflag:s0] =	ssyncadd.remote.s32 $0x1  }
0xbe: {  	_ =	sfence.sel $0xFFFF  }
0xbf: {  	[dreg:$0x0] =	wrdreg $0xFFFFFFFF;
	(pc) =	sbr.abs _section_cstart, $3  }
0xc0: {  	[dreg:$0x1] =	wrdreg $0xFFFFFFFF  }
0xc1: {  	_ =	task.clear_ibuf [dreg:s7], $0x2FFFF;
	_ =	strace $0x9FFFFFFF  }
0xc2: {  	(tm) =	ssettm $0x7FFFFFFF  }
0xc3: {  	_ =	shalt  }
tec
execute0_lowered:
.L_overlay_start_1:
0x0: {  	(tag) =	ssettag $0x1  }
0x1: {  	s0 =	srdreg.scid  }
0x2: {  	s4 =	sand.u32 $0x1, s0;
	s0 =	stileid.u32  }
0x3: {  	s5 =	sor.u32 s0, s4  }
0x4: {  	p0 =	sne.s32 s5, $0x0  }
.Ltmp0:
0x5: {  	_ = 	snop;
	(pc) =	sbr.rel @p0 .LBB2_5-.Ltmp0, $4  }
0x6: {  	_ = 	snop  }
0x7: {  	s2 =	rddreg [dreg:$0x0]  }
0x8: {  	s3 =	rddreg [dreg:$0x1]  }
0x9: {  	s1 =	rddreg [dreg:$0x2];
	_ =	strace $0x80000047  }
0xa: {  	v0 =	vimm.f32 $0.0e+00;
	v1 =	vlaneseq.u32;
	v2 =	vimm.s32 $0x0  }
0xb: {  	s3 =	sadd.s32 $0x1600, s3;
	v19 =	vimm.f32 $1.000000000e+00;
	v20 =	vimm.f32 $-Inf;
	v3 =	vor.u32 $0x80000000, v1  }
0xc: {  	v4 =	vor.u32 $0x80000010, v1;
	v5 =	vor.u32 $0x80000020, v1;
	v6 =	vor.u32 $0x80000030, v1  }
0xd: {  	v7 =	vor.u32 $0x80000040, v1;
	v8 =	vor.u32 $0x80000050, v1;
	v9 =	vor.u32 $0x80000060, v1  }
0xe: {  	s4 =	ssub.s32 $0x2, s4;
	v10 =	vor.u32 $0x80000070, v1;
	v11 =	vor.u32 $0x80000080, v1;
	v12 =	vor.u32 $0x80000090, v1  }
0xf: {  	s6 =	simm.s32 $0x1;
	s7 =	simm.s32 $0x100;
	s5 =	sshrl.u32 s4, $0x1;
	v13 =	vor.u32 $0x800000A0, v1;
	v14 =	vor.u32 $0x800000B0, v1;
	v15 =	vor.u32 $0x800000C0, v1  }
0x10: {  	s8 =	simm.s32 $0x0;
	v16 =	vor.u32 $0x800000D0, v1;
	v17 =	vor.u32 $0x800000E0, v1;
	v18 =	vor.u32 $0x800000F0, v1;
	s4 =	ssub.s32 s4, s5;
	s5 =	simm.s32 $0x0  }
.LBB2_2:
0x11: {  	[tilespmem:s5], [sflag:$0x1] =	stream.linear.gather [hbm4b:s2+s5], $0x100, $0x38;
	[tilespmem:$0x200] =	vst v63  }
0x12: {  	_ =	swait.ge [sflag:s6], $0x100  }
0x13: {  	[sflag:s6] =	ssyncset.done $0x0  }
0x14: {  	[sflag:s6] =	ssyncadd.s32 $0xFFFFFF00  }
0x15: {  	[tilespmem:$0x100] =	vst v0  }
0x16: {  	[tilespmem:$0x110] =	vst v0  }
0x17: {  	[tilespmem:$0x120] =	vst v0  }
0x18: {  	[tilespmem:$0x130] =	vst v0  }
0x19: {  	[tilespmem:$0x140] =	vst v0  }
0x1a: {  	[tilespmem:$0x150] =	vst v0  }
0x1b: {  	[tilespmem:$0x160] =	vst v0  }
0x1c: {  	[tilespmem:$0x170] =	vst v0  }
0x1d: {  	[tilespmem:$0x180] =	vst v0  }
0x1e: {  	[tilespmem:$0x190] =	vst v0  }
0x1f: {  	[tilespmem:$0x1A0] =	vst v0  }
0x20: {  	[tilespmem:$0x1B0] =	vst v0  }
0x21: {  	[tilespmem:$0x1C0] =	vst v0  }
0x22: {  	[tilespmem:$0x1D0] =	vst v0;
	v21 =	vld [tilespmem:$0x10]  }
0x23: {  	[tilespmem:$0x1E0] =	vst v0;
	v22 =	vld [tilespmem:$0x0]  }
0x24: {  	s9 =	simm.s32 $0x2F;
	[tilespmem:$0x1F0] =	vst v0  }
.LBB2_3:
0x25: {  	p0 =	sne.s32 s9, $0x1;
	v23 =	vld [tilespmem:$0x20];
	_ =	sdelay $0x1  }
0x26: {  	v24 =	vld [tilespmem:$0x30]  }
0x27: {  	vm0 =	vgt.f32 v21, v22  }
0x28: {  	v21 =	vsel vm0, v21, v22;
	v22 =	vld [tilespmem:$0x40]  }
0x29: {  	vm1 =	vgt.f32 v23, v21  }
0x2a: {  	v21 =	vsel vm1, v23, v21;
	v23 =	vld [tilespmem:$0x50]  }
0x2b: {  	vm2 =	vgt.f32 v24, v21  }
0x2c: {  	v21 =	vsel vm2, v24, v21;
	v24 =	vld [tilespmem:$0x60]  }
0x2d: {  	vm3 =	vgt.f32 v22, v21  }
0x2e: {  	v21 =	vsel vm3, v22, v21;
	v22 =	vld [tilespmem:$0x70]  }
0x2f: {  	vm4 =	vgt.f32 v23, v21  }
0x30: {  	v21 =	vsel vm4, v23, v21;
	v23 =	vld [tilespmem:$0x80]  }
0x31: {  	vm5 =	vgt.f32 v24, v21  }
0x32: {  	v21 =	vsel vm5, v24, v21;
	v24 =	vld [tilespmem:$0x90]  }
0x33: {  	vm6 =	vgt.f32 v22, v21  }
0x34: {  	v21 =	vsel vm6, v22, v21;
	v22 =	vld [tilespmem:$0xA0]  }
0x35: {  	vm7 =	vgt.f32 v23, v21  }
0x36: {  	v21 =	vsel vm7, v23, v21;
	v23 =	vld [tilespmem:$0xB0]  }
0x37: {  	vm8 =	vgt.f32 v24, v21  }
0x38: {  	v21 =	vsel vm8, v24, v21;
	v24 =	vld [tilespmem:$0xC0]  }
0x39: {  	vm9 =	vgt.f32 v22, v21  }
0x3a: {  	v21 =	vsel vm9, v22, v21;
	v22 =	vld [tilespmem:$0xD0]  }
0x3b: {  	vm10 =	vgt.f32 v23, v21  }
0x3c: {  	v21 =	vsel vm10, v23, v21;
	v23 =	vld [tilespmem:$0xE0]  }
0x3d: {  	vm11 =	vgt.f32 v24, v21  }
0x3e: {  	v21 =	vsel vm11, v24, v21;
	v24 =	vld [tilespmem:$0xF0]  }
0x3f: {  	vm12 =	vgt.f32 v22, v21  }
0x40: {  	v21 =	vsel vm12, v22, v21  }
0x41: {  	vm13 =	vgt.f32 v23, v21  }
0x42: {  	v21 =	vsel vm13, v23, v21  }
0x43: {  	vm14 =	vgt.f32 v24, v21  }
0x44: {  	v21 =	vsel vm14, v24, v21  }
0x45: {  	(xrf1) =	vsort.dscd.msk.f32 $0xffff, v21, v1;
	_ =	sdelay $0x2  }
0x46: {  	v22 =	vsel vm0, v4, v3  }
0x47: {  	v22 =	vsel vm1, v5, v22  }
0x48: {  	v22 =	vsel vm2, v6, v22  }
0x49: {  	v22 =	vsel vm3, v7, v22  }
0x4a: {  	v22 =	vsel vm4, v8, v22  }
0x4b: {  	v22 =	vsel vm5, v9, v22  }
0x4c: {  	v22 =	vsel vm6, v10, v22  }
0x4d: {  	v22 =	vsel vm7, v11, v22  }
0x4e: {  	v22 =	vsel vm8, v12, v22  }
0x4f: {  	v22 =	vsel vm9, v13, v22  }
0x50: {  	v22 =	vsel vm10, v14, v22  }
0x51: {  	v22 =	vsel vm11, v15, v22;
	v23, _, _ =	vpop (xrf1)  }
0x52: {  	v22 =	vsel vm12, v16, v22;
	v23 =	vperm.xlane v23, v2  }
0x53: {  	v22 =	vsel vm13, v17, v22  }
0x54: {  	vm0 =	veq.f32 v21, v23;
	v21 =	vsel vm14, v18, v22  }
0x55: {  	v21 =	vnsel vm0, $0x80100000, v21  }
0x56: {  	(xrf1) =	vsort.ascd.msk.u32 $0xffff, v21, v1;
	_ =	sdelay $0xd  }
0x57: {  	v21, _, _ =	vpop (xrf1)  }
0x58: {  	v21 =	vxor.u32 $0x80000000, v21  }
0x59: {  	v21 =	vperm.xlane v21, v2;
	_ =	sdelay $0x5  }
.Ltmp1:
0x5a: {  	[tilespmem:v21+s7+$0x0] =	vst.idx.msk $0x1, v19;
	(pc) =	sbr.rel @p0 .LBB2_3-.Ltmp1, $4  }
0x5b: {  	[tilespmem:v21+s5+$0x0] =	vst.idx.msk $0x1, v20  }
0x5c: {  	v21 =	vld [tilespmem:$0x10]  }
0x5d: {  	v22 =	vld [tilespmem:$0x0]  }
0x5e: {  	s9 =	sadd.s32 $0xFFFFFFFF, s9  }
0x5f: {  	v23 =	vld [tilespmem:$0x20];
	_ =	sdelay $0x1  }
0x60: {  	v24 =	vld [tilespmem:$0x30]  }
0x61: {  	vm0 =	vgt.f32 v21, v22  }
0x62: {  	v21 =	vsel vm0, v21, v22;
	v22 =	vld [tilespmem:$0x40]  }
0x63: {  	vm1 =	vgt.f32 v23, v21  }
0x64: {  	v21 =	vsel vm1, v23, v21;
	v23 =	vld [tilespmem:$0x50]  }
0x65: {  	vm2 =	vgt.f32 v24, v21  }
0x66: {  	v60 =	vld [tilespmem:$0x60];
	v21 =	vsel vm2, v24, v21  }
0x67: {  	vm3 =	vgt.f32 v22, v21  }
0x68: {  	v21 =	vsel vm3, v22, v21;
	v22 =	vld [tilespmem:$0x70]  }
0x69: {  	vm4 =	vgt.f32 v23, v21  }
0x6a: {  	v21 =	vsel vm4, v23, v21;
	v23 =	vld [tilespmem:$0x80]  }
0x6b: {  	vm5 =	vgt.f32 v60, v21  }
0x6c: {  	v61 =	vld [tilespmem:$0x90];
	v21 =	vsel vm5, v60, v21  }
0x6d: {  	vm6 =	vgt.f32 v22, v21  }
0x6e: {  	v21 =	vsel vm6, v22, v21;
	v22 =	vld [tilespmem:$0xA0]  }
0x6f: {  	vm7 =	vgt.f32 v23, v21  }
0x70: {  	v21 =	vsel vm7, v23, v21;
	v23 =	vld [tilespmem:$0xB0]  }
0x71: {  	vm8 =	vgt.f32 v61, v21  }
0x72: {  	v62 =	vld [tilespmem:$0xC0];
	v21 =	vsel vm8, v61, v21  }
0x73: {  	vm9 =	vgt.f32 v22, v21  }
0x74: {  	v21 =	vsel vm9, v22, v21;
	v22 =	vld [tilespmem:$0xD0]  }
0x75: {  	vm10 =	vgt.f32 v23, v21  }
0x76: {  	v21 =	vsel vm10, v23, v21;
	v23 =	vld [tilespmem:$0xE0]  }
0x77: {  	vm11 =	vgt.f32 v62, v21  }
0x78: {  	v63 =	vld [tilespmem:$0xF0];
	v21 =	vsel vm11, v62, v21  }
0x79: {  	vm12 =	vgt.f32 v22, v21  }
0x7a: {  	v21 =	vsel vm12, v22, v21  }
0x7b: {  	vm13 =	vgt.f32 v23, v21  }
0x7c: {  	v21 =	vsel vm13, v23, v21  }
0x7d: {  	vm14 =	vgt.f32 v63, v21  }
0x7e: {  	v21 =	vsel vm14, v63, v21  }
0x7f: {  	(xrf1) =	vsort.dscd.msk.f32 $0xffff, v21, v1;
	_ =	sdelay $0x2  }
0x80: {  	v22 =	vsel vm0, v4, v3  }
0x81: {  	v22 =	vsel vm1, v5, v22  }
0x82: {  	v22 =	vsel vm2, v6, v22  }
0x83: {  	v22 =	vsel vm3, v7, v22  }
0x84: {  	v22 =	vsel vm4, v8, v22  }
0x85: {  	v22 =	vsel vm5, v9, v22  }
0x86: {  	v22 =	vsel vm6, v10, v22  }
0x87: {  	v22 =	vsel vm7, v11, v22  }
0x88: {  	v22 =	vsel vm8, v12, v22  }
0x89: {  	v22 =	vsel vm9, v13, v22  }
0x8a: {  	v22 =	vsel vm10, v14, v22  }
0x8b: {  	v22 =	vsel vm11, v15, v22;
	v23, _, _ =	vpop (xrf1)  }
0x8c: {  	v22 =	vsel vm12, v16, v22;
	v23 =	vperm.xlane v23, v2  }
0x8d: {  	v22 =	vsel vm13, v17, v22  }
0x8e: {  	vm15 =	veq.f32 v21, v23;
	v21 =	vsel vm14, v18, v22  }
0x8f: {  	v21 =	vnsel vm15, $0x80100000, v21  }
0x90: {  	(xrf1) =	vsort.ascd.msk.u32 $0xffff, v21, v1;
	_ =	sdelay $0xd  }
0x91: {  	v21, _, _ =	vpop (xrf1)  }
0x92: {  	v21 =	vxor.u32 $0x80000000, v21  }
0x93: {  	v21 =	vperm.xlane v21, v2;
	_ =	sdelay $0x4  }
0x94: {  	s8 =	sadd.s32 $0x1, s8  }
0x95: {  	p0 =	sne.s32 s8, s4;
	[tilespmem:v21+s7+$0x0] =	vst.idx.msk $0x1, v19  }
.Ltmp2:
0x96: {  	[tilespmem:v21+s5+$0x0] =	vst.idx.msk $0x1, v20;
	(pc) =	sbr.rel @p0 .LBB2_2-.Ltmp2, $4  }
0x97: {  	[hbm4b:s3+s5] =	stream.linear.scatter [tilespmem:s7], [sflag:$0x1], $0x100, $0x38;
	[tilespmem:$0x200] =	vst v63  }
0x98: {  	_ =	swait.ge [sflag:s6], $0x100  }
0x99: {  	[sflag:s6] =	ssyncset.done $0x0  }
0x9a: {  	[sflag:s6] =	ssyncadd.s32 $0xFFFFFF00  }
.LBB2_5:
0x9b: {  	_ =	sfence.sel $0x180000  }
0x9c: {  	[bflag:$0x0] =	sbarrier.arrive $0xFFFF  }
0x9d: {  	p0 =	sne.s32 s0, $0x0;
	_ =	strace $0x90000047  }
0x9e: {  	s0 =	sadd.s32 @!p0 $0x100000, s1;
	[bflag:$0x2] =	sbarrier.arrive $0xFFFF  }
0x9f: {  	[sflag:s0] =	ssyncadd.tile.s32 @!p0 $0x1;
	_ =	shalt  }
.Lfunc_end2:
_tile_overlayer_lowered:
.L_overlay_start_2:
0xa0: {  	(tag) =	ssettag $0x2  }
0xa1: {  	s0 =	rddreg [dreg:$0x0];
	s2 =	stileid.u32  }
0xa2: {  	s1 =	rddreg [dreg:$0x1];
	p0 =	sne.s32 s2, $0x0  }
0xa3: {  	s3 =	rddreg [dreg:$0x2];
	[bflag:$0x3] =	sbarrier.arrive $0xFFFF;
	s2 =	simm.s32 @!p0 $0x1C01  }
0xa4: {  	[timem:s3], [sflag:s2] =	dma.local @!p0 [hbm:s0], s1  }
0xa5: {  	s0 =	simm.s32 @!p0 $0x1  }
0xa6: {  	_ =	swait.ge @!p0 [sflag:s0], s1  }
0xa7: {  	s1 =	ssub.s32 @!p0 $0x0, s1;
	[sflag:s0] =	ssyncset.done @!p0 $0x0  }
0xa8: {  	[sflag:s0] =	ssyncadd.s32 @!p0 s1  }
0xa9: {  	[bflag:$0x3] =	sbarrier.arrive $0xFFFF  }
0xaa: {  	_ =	shalt  }

</sc_bundles>
